<compile_context>
chip_gen: v7x
topology: tpu7x:2x2x1
jax: 0.10.2.dev20260603
libtpu: 0.0.44.dev20260713+nightly
codegen_flags: <defaults>
</compile_context>

<pallas_src>
import functools

import jax
import jax.numpy as jnp
import numpy as np
from jax import lax
from jax.experimental import pallas as pl
from jax.experimental.pallas import tpu as pltpu
from jax.experimental.pallas import tpu_sc as plsc

NCLS = 80
CH = 84
CONF = 0.25
N_ANCH = 20000
K = 2000

NW = 32
APW = N_ANCH // NW
ROW = 640
GROUPS = ROW // 16
WORDS = APW * CH + 4
INT_MIN = np.int32(-2**31)


def _sc_scores_body(data_hbm, sc_out, bx_out, buf, srow, brow):
    wid = lax.axis_index("s") * 2 + lax.axis_index("c")
    gstart = wid * (APW * CH)
    astart = (gstart // 8) * 8
    off = gstart - astart
    pltpu.sync_copy(data_hbm.at[pl.ds(astart, WORDS)], buf)
    iota = lax.iota(jnp.int32, 16)

    def group(g, carry):
        anchors = g * 16 + iota
        valid = anchors < APW
        base = off + jnp.minimum(anchors, APW - 1) * CH
        accs = [jnp.full((16,), -jnp.inf, jnp.float32) for _ in range(4)]
        for c in range(4, CH):
            v = plsc.load_gather(buf, [base + c])
            accs[c % 4] = jnp.maximum(accs[c % 4], v)
        s = jnp.maximum(jnp.maximum(accs[0], accs[1]),
                        jnp.maximum(accs[2], accs[3]))
        bsum = plsc.load_gather(buf, [base])
        for c in range(1, 4):
            bsum = bsum + plsc.load_gather(buf, [base + c])
        srow[pl.ds(g * 16, 16)] = jnp.where(valid, s, -jnp.inf)
        brow[pl.ds(g * 16, 16)] = jnp.where(valid, bsum, 0.0)
        return carry

    lax.fori_loop(0, GROUPS, group, jnp.int32(0))
    pltpu.sync_copy(srow, sc_out.at[wid])
    pltpu.sync_copy(brow, bx_out.at[wid])


@functools.cache
def _sc_scores():
    return pl.kernel(
        _sc_scores_body,
        out_type=(jax.ShapeDtypeStruct((NW, ROW), jnp.float32),
                  jax.ShapeDtypeStruct((NW, ROW), jnp.float32)),
        mesh=plsc.VectorSubcoreMesh(core_axis_name="c", subcore_axis_name="s",
                                    num_cores=2, num_subcores=16),
        scratch_types=[pltpu.VMEM((WORDS,), jnp.float32),
                       pltpu.VMEM((ROW,), jnp.float32),
                       pltpu.VMEM((ROW,), jnp.float32)],
        compiler_params=pltpu.CompilerParams(needs_layout_passes=False),
    )


def _tc_select_body(s_ref, b_ref, out_ref):
    s = s_ref[...]
    b = b_ref[...]
    col = lax.broadcasted_iota(jnp.int32, (NW, ROW), 1)
    row = lax.broadcasted_iota(jnp.int32, (NW, ROW), 0)
    valid = col < APW
    bits = lax.bitcast_convert_type(s, jnp.int32)
    key = jnp.where(bits >= 0, bits, (~bits) ^ INT_MIN)
    key = jnp.where(valid, key, INT_MIN)
    idx = jnp.where(valid, row * APW + col, jnp.int32(1 << 30))

    def key_bit(i, p):
        t = p | (jnp.int32(1) << (31 - i))
        cnt = jnp.sum((key >= (t ^ INT_MIN)).astype(jnp.int32))
        return jnp.where(cnt >= K, t, p)

    p_u = lax.fori_loop(0, 32, key_bit, jnp.int32(0))
    t_s = p_u ^ INT_MIN
    cnt_gt = jnp.sum((key > t_s).astype(jnp.int32))
    r = K - cnt_gt
    tie = key == t_s

    def idx_bit(i, q):
        t = q | (jnp.int32(1) << (14 - i))
        c = jnp.sum((tie & (idx < t)).astype(jnp.int32))
        return jnp.where(c < r, t, q)

    m = lax.fori_loop(0, 15, idx_bit, jnp.int32(0))

    beta = jnp.where(p_u < 0, p_u ^ INT_MIN, ~p_u)
    t_f = lax.bitcast_convert_type(beta, jnp.float32)

    sum_gt = jnp.sum(jnp.where(key > t_s, s + b, 0.0))
    sum_tie_b = jnp.sum(jnp.where(tie & (idx <= m), b, 0.0))
    loss_a = sum_gt + r.astype(jnp.float32) * t_f + sum_tie_b
    loss_b = jnp.sum(jnp.where(valid & (s >= CONF), s + b, 0.0))
    out_ref[0, 0] = jnp.where(t_f >= CONF, loss_a, loss_b)


def kernel(data):
    flat = data.reshape(N_ANCH * CH)
    scores, boxsum = _sc_scores()(flat)
    out = pl.pallas_call(
        _tc_select_body,
        out_shape=jax.ShapeDtypeStruct((1, 1), jnp.float32),
        out_specs=pl.BlockSpec(memory_space=pltpu.SMEM),
    )(scores, boxsum)
    return out.reshape(())

# --- scband reference (transcript-rebuilt; emitter-appended) ---
"""Pipeline reference for scband-yolo-det-target-83975200571728 (READ-ONLY COPY).

The authoritative reference and input builder live on the scoring server;
editing this copy changes nothing except your own understanding.
"""

import jax, jax.numpy as jnp
import numpy as np

NC = 80
CONF = 0.25
RATIO = 0.1
OUTPUT_TYPE = "all"


def setup_inputs(seed: int = 0) -> dict:
    key = jax.random.key(seed)
    data = jax.random.normal(key, (1, 20000, 84), dtype=jnp.float32)
    return {"data": data}


def reference(data):
    pred = data
    # class logits are the last NC channels, boxes the first 4
    cls_logits = pred[0, :, -NC:]
    boxes = pred[0, :, :4]
    # class_id is None -> max over classes
    scores = jnp.max(cls_logits, axis=1)
    n = scores.shape[0]
    k = max(1, min(n, int(np.ceil(n * float(RATIO)))))
    vals, idx = jax.lax.top_k(scores, k)
    mask = vals >= CONF
    loss = jnp.sum(jnp.where(mask, vals, 0.0))
    if OUTPUT_TYPE in ("box", "all"):
        boxes_sel = jnp.take(boxes, idx, axis=0)
        loss = loss + jnp.sum(jnp.where(mask[:, None], boxes_sel, 0.0))
    # if nothing passes confidence, loss is 0
    loss = jnp.where(jnp.sum(mask) == 0, jnp.zeros_like(loss), loss)
    return loss

if __name__ == "__main__":
    import jax
    _d = setup_inputs()
    print(jax.jit(kernel)(*tuple(_d.values())))

</pallas_src>

<mosaic_0001>
#map = affine_map<(d0, d1) -> (0)>
#map1 = affine_map<(d0, d1) -> (0, 0)>
module attributes {stable_mosaic.version = 14 : i64} {
  func.func @_sc_scores_body(%arg0: i32, %arg1: i32, %arg2: memref<1680000xf32, #tpu.memory_space<hbm>>, %arg3: memref<32x640xf32, #tpu.memory_space<hbm>>, %arg4: memref<32x640xf32, #tpu.memory_space<hbm>>, %arg5: memref<52504xf32, #tpu.memory_space<vmem>>, %arg6: memref<640xf32, #tpu.memory_space<vmem>>, %arg7: memref<640xf32, #tpu.memory_space<vmem>>) attributes {dimension_semantics = [#tpu.dimension_semantics<core_parallel>, #tpu.dimension_semantics<subcore_parallel>], iteration_bounds = array<i64: 2, 16>, scalar_prefetch = 0 : i64, scratch_operands = 3 : i64, tpu.core_type = #tpu.core_type<sc_vector_subcore>, window_params = [{transform_indices = #map}, {transform_indices = #map1}, {transform_indices = #map1}]} {
    %mul3A = arith.constant 2 : i32
    %mul3A_0 = arith.muli %arg1, %mul3A : i32
    %add3A = arith.addi %mul3A_0, %arg0 : i32
    %mul3A_1 = arith.constant 52500 : i32
    %mul3A_2 = arith.muli %add3A, %mul3A_1 : i32
    %jit3A = arith.constant 8 : i32
    %div3A = arith.divsi %mul3A_2, %jit3A : i32
    %sign3A = arith.constant 0 : i32
    %sign3A_3 = arith.cmpi sgt, %mul3A_2, %sign3A : i32
    %sign3A_4 = arith.extui %sign3A_3 : i1 to i32
    %sign3A_5 = arith.constant 0 : i32
    %sign3A_6 = arith.cmpi slt, %mul3A_2, %sign3A_5 : i32
    %sign3A_7 = arith.extui %sign3A_6 : i1 to i32
    %sign3A_8 = arith.subi %sign3A_4, %sign3A_7 : i32
    %sign3A_9 = arith.constant 0 : i32
    %sign3A_10 = arith.cmpi sgt, %jit3A, %sign3A_9 : i32
    %sign3A_11 = arith.extui %sign3A_10 : i1 to i32
    %sign3A_12 = arith.constant 0 : i32
    %sign3A_13 = arith.cmpi slt, %jit3A, %sign3A_12 : i32
    %sign3A_14 = arith.extui %sign3A_13 : i1 to i32
    %sign3A_15 = arith.subi %sign3A_11, %sign3A_14 : i32
    %ne3A = arith.cmpi ne, %sign3A_8, %sign3A_15 : i32
    %rem3A = arith.remsi %mul3A_2, %jit3A : i32
    %ne3A_16 = arith.constant 0 : i32
    %ne3A_17 = arith.cmpi ne, %rem3A, %ne3A_16 : i32
    %and3A = arith.andi %ne3A, %ne3A_17 : i1
    %sub3A = arith.constant 1 : i32
    %sub3A_18 = arith.subi %div3A, %sub3A : i32
    %select_n3A = arith.select %and3A, %sub3A_18, %div3A : i32
    %mul3A_19 = arith.constant 8 : i32
    %mul3A_20 = arith.muli %select_n3A, %mul3A_19 : i32
    %sub3A_21 = arith.subi %mul3A_2, %mul3A_20 : i32
    "tpu.region"() ({
      %run_scoped3A = tpu.sem_alloc : memref<!tpu.dma_semaphore, #tpu.memory_space<semaphore_mem>>
      %dma_start3A = tpu.memref_slice %arg2[%mul3A_20] : memref<1680000xf32, #tpu.memory_space<hbm>> -> memref<52504xf32, #tpu.memory_space<hbm>>
      %dma_start3A_27 = tpu.memref_slice %arg2[%mul3A_20] : memref<1680000xf32, #tpu.memory_space<hbm>> -> memref<52504xf32, #tpu.memory_space<hbm>>
      tpu.enqueue_dma source(%dma_start3A_27 : memref<52504xf32, #tpu.memory_space<hbm>>) target(%arg5 : memref<52504xf32, #tpu.memory_space<vmem>>) target_semaphore(%run_scoped3A : memref<!tpu.dma_semaphore, #tpu.memory_space<semaphore_mem>>)
      %dma_wait3A = tpu.memref_slice %arg2[%mul3A_20] : memref<1680000xf32, #tpu.memory_space<hbm>> -> memref<52504xf32, #tpu.memory_space<hbm>>
      %dma_wait3A_28 = tpu.memref_slice %arg2[%mul3A_20] : memref<1680000xf32, #tpu.memory_space<hbm>> -> memref<52504xf32, #tpu.memory_space<hbm>>
      tpu.wait_dma2 semaphore(%run_scoped3A : memref<!tpu.dma_semaphore, #tpu.memory_space<semaphore_mem>>) src(%dma_wait3A_28 : memref<52504xf32, #tpu.memory_space<hbm>>) dst(%arg5 : memref<52504xf32, #tpu.memory_space<vmem>>)
      tpu.yield
    }) : () -> ()
    %iota3A = tpu.iota {dimensions = array<i32: 0>} : vector<16xi32>
    %scan3A = arith.constant 0 : i32
    %scan3A_22 = arith.constant 0 : i32
    %scan3A_23 = arith.constant 40 : i32
    %scan3A_24 = arith.addi %scan3A_22, %scan3A_23 : i32
    %scan3A_25 = arith.constant 1 : i32
    scf.for %scan3A_27 = %scan3A_22 to %scan3A_24 step %scan3A_25  : i32 {
      %mul3A_28 = arith.constant 16 : i32
      %mul3A_29 = arith.muli %scan3A_27, %mul3A_28 : i32
      %add3A_30 = vector.broadcast %mul3A_29 : i32 to vector<16xi32>
      %add3A_31 = arith.addi %add3A_30, %iota3A : vector<16xi32>
      %lt3A = arith.constant 625 : i32
      %lt3A_32 = vector.broadcast %lt3A : i32 to vector<16xi32>
      %lt3A_33 = arith.cmpi slt, %add3A_31, %lt3A_32 : vector<16xi32>
      %min3A = arith.constant 624 : i32
      %min3A_34 = vector.broadcast %min3A : i32 to vector<16xi32>
      %min3A_35 = arith.minsi %add3A_31, %min3A_34 : vector<16xi32>
      %mul3A_36 = arith.constant 84 : i32
      %mul3A_37 = vector.broadcast %mul3A_36 : i32 to vector<16xi32>
      %mul3A_38 = arith.muli %min3A_35, %mul3A_37 : vector<16xi32>
      %add3A_39 = vector.broadcast %sub3A_21 : i32 to vector<16xi32>
      %add3A_40 = arith.addi %add3A_39, %mul3A_38 : vector<16xi32>
      %broadcast_in_dim3A = arith.constant 0xFF800000 : f32
      %broadcast_in_dim3A_41 = vector.broadcast %broadcast_in_dim3A : f32 to vector<16xf32>
      %broadcast_in_dim3A_42 = arith.constant 0xFF800000 : f32
      %broadcast_in_dim3A_43 = vector.broadcast %broadcast_in_dim3A_42 : f32 to vector<16xf32>
      %broadcast_in_dim3A_44 = arith.constant 0xFF800000 : f32
      %broadcast_in_dim3A_45 = vector.broadcast %broadcast_in_dim3A_44 : f32 to vector<16xf32>
      %broadcast_in_dim3A_46 = arith.constant 0xFF800000 : f32
      %broadcast_in_dim3A_47 = vector.broadcast %broadcast_in_dim3A_46 : f32 to vector<16xf32>
      %add3A_48 = arith.constant 4 : i32
      %add3A_49 = vector.broadcast %add3A_48 : i32 to vector<16xi32>
      %add3A_50 = arith.addi %add3A_40, %add3A_49 : vector<16xi32>
      %gather3A = tpu.vector_load_idx %arg5[%add3A_50] : memref<52504xf32, #tpu.memory_space<vmem>>[vector<16xi32>], vector<16xf32>,
      %max3A = arith.maximumf %broadcast_in_dim3A_41, %gather3A : vector<16xf32>
      %add3A_51 = arith.constant 5 : i32
      %add3A_52 = vector.broadcast %add3A_51 : i32 to vector<16xi32>
      %add3A_53 = arith.addi %add3A_40, %add3A_52 : vector<16xi32>
      %gather3A_54 = tpu.vector_load_idx %arg5[%add3A_53] : memref<52504xf32, #tpu.memory_space<vmem>>[vector<16xi32>], vector<16xf32>,
      %max3A_55 = arith.maximumf %broadcast_in_dim3A_43, %gather3A_54 : vector<16xf32>
      %add3A_56 = arith.constant 6 : i32
      %add3A_57 = vector.broadcast %add3A_56 : i32 to vector<16xi32>
      %add3A_58 = arith.addi %add3A_40, %add3A_57 : vector<16xi32>
      %gather3A_59 = tpu.vector_load_idx %arg5[%add3A_58] : memref<52504xf32, #tpu.memory_space<vmem>>[vector<16xi32>], vector<16xf32>,
      %max3A_60 = arith.maximumf %broadcast_in_dim3A_45, %gather3A_59 : vector<16xf32>
      %add3A_61 = arith.constant 7 : i32
      %add3A_62 = vector.broadcast %add3A_61 : i32 to vector<16xi32>
      %add3A_63 = arith.addi %add3A_40, %add3A_62 : vector<16xi32>
      %gather3A_64 = tpu.vector_load_idx %arg5[%add3A_63] : memref<52504xf32, #tpu.memory_space<vmem>>[vector<16xi32>], vector<16xf32>,
      %max3A_65 = arith.maximumf %broadcast_in_dim3A_47, %gather3A_64 : vector<16xf32>
      %add3A_66 = arith.constant 8 : i32
      %add3A_67 = vector.broadcast %add3A_66 : i32 to vector<16xi32>
      %add3A_68 = arith.addi %add3A_40, %add3A_67 : vector<16xi32>
      %gather3A_69 = tpu.vector_load_idx %arg5[%add3A_68] : memref<52504xf32, #tpu.memory_space<vmem>>[vector<16xi32>], vector<16xf32>,
      %max3A_70 = arith.maximumf %max3A, %gather3A_69 : vector<16xf32>
      %add3A_71 = arith.constant 9 : i32
      %add3A_72 = vector.broadcast %add3A_71 : i32 to vector<16xi32>
      %add3A_73 = arith.addi %add3A_40, %add3A_72 : vector<16xi32>
      %gather3A_74 = tpu.vector_load_idx %arg5[%add3A_73] : memref<52504xf32, #tpu.memory_space<vmem>>[vector<16xi32>], vector<16xf32>,
      %max3A_75 = arith.maximumf %max3A_55, %gather3A_74 : vector<16xf32>
      %add3A_76 = arith.constant 10 : i32
      %add3A_77 = vector.broadcast %add3A_76 : i32 to vector<16xi32>
      %add3A_78 = arith.addi %add3A_40, %add3A_77 : vector<16xi32>
      %gather3A_79 = tpu.vector_load_idx %arg5[%add3A_78] : memref<52504xf32, #tpu.memory_space<vmem>>[vector<16xi32>], vector<16xf32>,
      %max3A_80 = arith.maximumf %max3A_60, %gather3A_79 : vector<16xf32>
      %add3A_81 = arith.constant 11 : i32
      %add3A_82 = vector.broadcast %add3A_81 : i32 to vector<16xi32>
      %add3A_83 = arith.addi %add3A_40, %add3A_82 : vector<16xi32>
      %gather3A_84 = tpu.vector_load_idx %arg5[%add3A_83] : memref<52504xf32, #tpu.memory_space<vmem>>[vector<16xi32>], vector<16xf32>,
      %max3A_85 = arith.maximumf %max3A_65, %gather3A_84 : vector<16xf32>
      %add3A_86 = arith.constant 12 : i32
      %add3A_87 = vector.broadcast %add3A_86 : i32 to vector<16xi32>
      %add3A_88 = arith.addi %add3A_40, %add3A_87 : vector<16xi32>
      %gather3A_89 = tpu.vector_load_idx %arg5[%add3A_88] : memref<52504xf32, #tpu.memory_space<vmem>>[vector<16xi32>], vector<16xf32>,
      %max3A_90 = arith.maximumf %max3A_70, %gather3A_89 : vector<16xf32>
      %add3A_91 = arith.constant 13 : i32
      %add3A_92 = vector.broadcast %add3A_91 : i32 to vector<16xi32>
      %add3A_93 = arith.addi %add3A_40, %add3A_92 : vector<16xi32>
      %gather3A_94 = tpu.vector_load_idx %arg5[%add3A_93] : memref<52504xf32, #tpu.memory_space<vmem>>[vector<16xi32>], vector<16xf32>,
      %max3A_95 = arith.maximumf %max3A_75, %gather3A_94 : vector<16xf32>
      %add3A_96 = arith.constant 14 : i32
      %add3A_97 = vector.broadcast %add3A_96 : i32 to vector<16xi32>
      %add3A_98 = arith.addi %add3A_40, %add3A_97 : vector<16xi32>
      %gather3A_99 = tpu.vector_load_idx %arg5[%add3A_98] : memref<52504xf32, #tpu.memory_space<vmem>>[vector<16xi32>], vector<16xf32>,
      %max3A_100 = arith.maximumf %max3A_80, %gather3A_99 : vector<16xf32>
      %add3A_101 = arith.constant 15 : i32
      %add3A_102 = vector.broadcast %add3A_101 : i32 to vector<16xi32>
      %add3A_103 = arith.addi %add3A_40, %add3A_102 : vector<16xi32>
      %gather3A_104 = tpu.vector_load_idx %arg5[%add3A_103] : memref<52504xf32, #tpu.memory_space<vmem>>[vector<16xi32>], vector<16xf32>,
      %max3A_105 = arith.maximumf %max3A_85, %gather3A_104 : vector<16xf32>
      %add3A_106 = arith.constant 16 : i32
      %add3A_107 = vector.broadcast %add3A_106 : i32 to vector<16xi32>
      %add3A_108 = arith.addi %add3A_40, %add3A_107 : vector<16xi32>
      %gather3A_109 = tpu.vector_load_idx %arg5[%add3A_108] : memref<52504xf32, #tpu.memory_space<vmem>>[vector<16xi32>], vector<16xf32>,
      %max3A_110 = arith.maximumf %max3A_90, %gather3A_109 : vector<16xf32>
      %add3A_111 = arith.constant 17 : i32
      %add3A_112 = vector.broadcast %add3A_111 : i32 to vector<16xi32>
      %add3A_113 = arith.addi %add3A_40, %add3A_112 : vector<16xi32>
      %gather3A_114 = tpu.vector_load_idx %arg5[%add3A_113] : memref<52504xf32, #tpu.memory_space<vmem>>[vector<16xi32>], vector<16xf32>,
      %max3A_115 = arith.maximumf %max3A_95, %gather3A_114 : vector<16xf32>
      %add3A_116 = arith.constant 18 : i32
      %add3A_117 = vector.broadcast %add3A_116 : i32 to vector<16xi32>
      %add3A_118 = arith.addi %add3A_40, %add3A_117 : vector<16xi32>
      %gather3A_119 = tpu.vector_load_idx %arg5[%add3A_118] : memref<52504xf32, #tpu.memory_space<vmem>>[vector<16xi32>], vector<16xf32>,
      %max3A_120 = arith.maximumf %max3A_100, %gather3A_119 : vector<16xf32>
      %add3A_121 = arith.constant 19 : i32
      %add3A_122 = vector.broadcast %add3A_121 : i32 to vector<16xi32>
      %add3A_123 = arith.addi %add3A_40, %add3A_122 : vector<16xi32>
      %gather3A_124 = tpu.vector_load_idx %arg5[%add3A_123] : memref<52504xf32, #tpu.memory_space<vmem>>[vector<16xi32>], vector<16xf32>,
      %max3A_125 = arith.maximumf %max3A_105, %gather3A_124 : vector<16xf32>
      %add3A_126 = arith.constant 20 : i32
      %add3A_127 = vector.broadcast %add3A_126 : i32 to vector<16xi32>
      %add3A_128 = arith.addi %add3A_40, %add3A_127 : vector<16xi32>
      %gather3A_129 = tpu.vector_load_idx %arg5[%add3A_128] : memref<52504xf32, #tpu.memory_space<vmem>>[vector<16xi32>], vector<16xf32>,
      %max3A_130 = arith.maximumf %max3A_110, %gather3A_129 : vector<16xf32>
      %add3A_131 = arith.constant 21 : i32
      %add3A_132 = vector.broadcast %add3A_131 : i32 to vector<16xi32>
      %add3A_133 = arith.addi %add3A_40, %add3A_132 : vector<16xi32>
      %gather3A_134 = tpu.vector_load_idx %arg5[%add3A_133] : memref<52504xf32, #tpu.memory_space<vmem>>[vector<16xi32>], vector<16xf32>,
      %max3A_135 = arith.maximumf %max3A_115, %gather3A_134 : vector<16xf32>
      %add3A_136 = arith.constant 22 : i32
      %add3A_137 = vector.broadcast %add3A_136 : i32 to vector<16xi32>
      %add3A_138 = arith.addi %add3A_40, %add3A_137 : vector<16xi32>
      %gather3A_139 = tpu.vector_load_idx %arg5[%add3A_138] : memref<52504xf32, #tpu.memory_space<vmem>>[vector<16xi32>], vector<16xf32>,
      %max3A_140 = arith.maximumf %max3A_120, %gather3A_139 : vector<16xf32>
      %add3A_141 = arith.constant 23 : i32
      %add3A_142 = vector.broadcast %add3A_141 : i32 to vector<16xi32>
      %add3A_143 = arith.addi %add3A_40, %add3A_142 : vector<16xi32>
      %gather3A_144 = tpu.vector_load_idx %arg5[%add3A_143] : memref<52504xf32, #tpu.memory_space<vmem>>[vector<16xi32>], vector<16xf32>,
      %max3A_145 = arith.maximumf %max3A_125, %gather3A_144 : vector<16xf32>
      %add3A_146 = arith.constant 24 : i32
      %add3A_147 = vector.broadcast %add3A_146 : i32 to vector<16xi32>
      %add3A_148 = arith.addi %add3A_40, %add3A_147 : vector<16xi32>
      %gather3A_149 = tpu.vector_load_idx %arg5[%add3A_148] : memref<52504xf32, #tpu.memory_space<vmem>>[vector<16xi32>], vector<16xf32>,
      %max3A_150 = arith.maximumf %max3A_130, %gather3A_149 : vector<16xf32>
      %add3A_151 = arith.constant 25 : i32
      %add3A_152 = vector.broadcast %add3A_151 : i32 to vector<16xi32>
      %add3A_153 = arith.addi %add3A_40, %add3A_152 : vector<16xi32>
      %gather3A_154 = tpu.vector_load_idx %arg5[%add3A_153] : memref<52504xf32, #tpu.memory_space<vmem>>[vector<16xi32>], vector<16xf32>,
      %max3A_155 = arith.maximumf %max3A_135, %gather3A_154 : vector<16xf32>
      %add3A_156 = arith.constant 26 : i32
      %add3A_157 = vector.broadcast %add3A_156 : i32 to vector<16xi32>
      %add3A_158 = arith.addi %add3A_40, %add3A_157 : vector<16xi32>
      %gather3A_159 = tpu.vector_load_idx %arg5[%add3A_158] : memref<52504xf32, #tpu.memory_space<vmem>>[vector<16xi32>], vector<16xf32>,
      %max3A_160 = arith.maximumf %max3A_140, %gather3A_159 : vector<16xf32>
      %add3A_161 = arith.constant 27 : i32
      %add3A_162 = vector.broadcast %add3A_161 : i32 to vector<16xi32>
      %add3A_163 = arith.addi %add3A_40, %add3A_162 : vector<16xi32>
      %gather3A_164 = tpu.vector_load_idx %arg5[%add3A_163] : memref<52504xf32, #tpu.memory_space<vmem>>[vector<16xi32>], vector<16xf32>,
      %max3A_165 = arith.maximumf %max3A_145, %gather3A_164 : vector<16xf32>
      %add3A_166 = arith.constant 28 : i32
      %add3A_167 = vector.broadcast %add3A_166 : i32 to vector<16xi32>
      %add3A_168 = arith.addi %add3A_40, %add3A_167 : vector<16xi32>
      %gather3A_169 = tpu.vector_load_idx %arg5[%add3A_168] : memref<52504xf32, #tpu.memory_space<vmem>>[vector<16xi32>], vector<16xf32>,
      %max3A_170 = arith.maximumf %max3A_150, %gather3A_169 : vector<16xf32>
      %add3A_171 = arith.constant 29 : i32
      %add3A_172 = vector.broadcast %add3A_171 : i32 to vector<16xi32>
      %add3A_173 = arith.addi %add3A_40, %add3A_172 : vector<16xi32>
      %gather3A_174 = tpu.vector_load_idx %arg5[%add3A_173] : memref<52504xf32, #tpu.memory_space<vmem>>[vector<16xi32>], vector<16xf32>,
      %max3A_175 = arith.maximumf %max3A_155, %gather3A_174 : vector<16xf32>
      %add3A_176 = arith.constant 30 : i32
      %add3A_177 = vector.broadcast %add3A_176 : i32 to vector<16xi32>
      %add3A_178 = arith.addi %add3A_40, %add3A_177 : vector<16xi32>
      %gather3A_179 = tpu.vector_load_idx %arg5[%add3A_178] : memref<52504xf32, #tpu.memory_space<vmem>>[vector<16xi32>], vector<16xf32>,
      %max3A_180 = arith.maximumf %max3A_160, %gather3A_179 : vector<16xf32>
      %add3A_181 = arith.constant 31 : i32
      %add3A_182 = vector.broadcast %add3A_181 : i32 to vector<16xi32>
      %add3A_183 = arith.addi %add3A_40, %add3A_182 : vector<16xi32>
      %gather3A_184 = tpu.vector_load_idx %arg5[%add3A_183] : memref<52504xf32, #tpu.memory_space<vmem>>[vector<16xi32>], vector<16xf32>,
      %max3A_185 = arith.maximumf %max3A_165, %gather3A_184 : vector<16xf32>
      %add3A_186 = arith.constant 32 : i32
      %add3A_187 = vector.broadcast %add3A_186 : i32 to vector<16xi32>
      %add3A_188 = arith.addi %add3A_40, %add3A_187 : vector<16xi32>
      %gather3A_189 = tpu.vector_load_idx %arg5[%add3A_188] : memref<52504xf32, #tpu.memory_space<vmem>>[vector<16xi32>], vector<16xf32>,
      %max3A_190 = arith.maximumf %max3A_170, %gather3A_189 : vector<16xf32>
      %add3A_191 = arith.constant 33 : i32
      %add3A_192 = vector.broadcast %add3A_191 : i32 to vector<16xi32>
      %add3A_193 = arith.addi %add3A_40, %add3A_192 : vector<16xi32>
      %gather3A_194 = tpu.vector_load_idx %arg5[%add3A_193] : memref<52504xf32, #tpu.memory_space<vmem>>[vector<16xi32>], vector<16xf32>,
      %max3A_195 = arith.maximumf %max3A_175, %gather3A_194 : vector<16xf32>
      %add3A_196 = arith.constant 34 : i32
      %add3A_197 = vector.broadcast %add3A_196 : i32 to vector<16xi32>
      %add3A_198 = arith.addi %add3A_40, %add3A_197 : vector<16xi32>
      %gather3A_199 = tpu.vector_load_idx %arg5[%add3A_198] : memref<52504xf32, #tpu.memory_space<vmem>>[vector<16xi32>], vector<16xf32>,
      %max3A_200 = arith.maximumf %max3A_180, %gather3A_199 : vector<16xf32>
      %add3A_201 = arith.constant 35 : i32
      %add3A_202 = vector.broadcast %add3A_201 : i32 to vector<16xi32>
      %add3A_203 = arith.addi %add3A_40, %add3A_202 : vector<16xi32>
      %gather3A_204 = tpu.vector_load_idx %arg5[%add3A_203] : memref<52504xf32, #tpu.memory_space<vmem>>[vector<16xi32>], vector<16xf32>,
      %max3A_205 = arith.maximumf %max3A_185, %gather3A_204 : vector<16xf32>
      %add3A_206 = arith.constant 36 : i32
      %add3A_207 = vector.broadcast %add3A_206 : i32 to vector<16xi32>
      %add3A_208 = arith.addi %add3A_40, %add3A_207 : vector<16xi32>
      %gather3A_209 = tpu.vector_load_idx %arg5[%add3A_208] : memref<52504xf32, #tpu.memory_space<vmem>>[vector<16xi32>], vector<16xf32>,
      %max3A_210 = arith.maximumf %max3A_190, %gather3A_209 : vector<16xf32>
      %add3A_211 = arith.constant 37 : i32
      %add3A_212 = vector.broadcast %add3A_211 : i32 to vector<16xi32>
      %add3A_213 = arith.addi %add3A_40, %add3A_212 : vector<16xi32>
      %gather3A_214 = tpu.vector_load_idx %arg5[%add3A_213] : memref<52504xf32, #tpu.memory_space<vmem>>[vector<16xi32>], vector<16xf32>,
      %max3A_215 = arith.maximumf %max3A_195, %gather3A_214 : vector<16xf32>
      %add3A_216 = arith.constant 38 : i32
      %add3A_217 = vector.broadcast %add3A_216 : i32 to vector<16xi32>
      %add3A_218 = arith.addi %add3A_40, %add3A_217 : vector<16xi32>
      %gather3A_219 = tpu.vector_load_idx %arg5[%add3A_218] : memref<52504xf32, #tpu.memory_space<vmem>>[vector<16xi32>], vector<16xf32>,
      %max3A_220 = arith.maximumf %max3A_200, %gather3A_219 : vector<16xf32>
      %add3A_221 = arith.constant 39 : i32
      %add3A_222 = vector.broadcast %add3A_221 : i32 to vector<16xi32>
      %add3A_223 = arith.addi %add3A_40, %add3A_222 : vector<16xi32>
      %gather3A_224 = tpu.vector_load_idx %arg5[%add3A_223] : memref<52504xf32, #tpu.memory_space<vmem>>[vector<16xi32>], vector<16xf32>,
      %max3A_225 = arith.maximumf %max3A_205, %gather3A_224 : vector<16xf32>
      %add3A_226 = arith.constant 40 : i32
      %add3A_227 = vector.broadcast %add3A_226 : i32 to vector<16xi32>
      %add3A_228 = arith.addi %add3A_40, %add3A_227 : vector<16xi32>
      %gather3A_229 = tpu.vector_load_idx %arg5[%add3A_228] : memref<52504xf32, #tpu.memory_space<vmem>>[vector<16xi32>], vector<16xf32>,
      %max3A_230 = arith.maximumf %max3A_210, %gather3A_229 : vector<16xf32>
      %add3A_231 = arith.constant 41 : i32
      %add3A_232 = vector.broadcast %add3A_231 : i32 to vector<16xi32>
      %add3A_233 = arith.addi %add3A_40, %add3A_232 : vector<16xi32>
      %gather3A_234 = tpu.vector_load_idx %arg5[%add3A_233] : memref<52504xf32, #tpu.memory_space<vmem>>[vector<16xi32>], vector<16xf32>,
      %max3A_235 = arith.maximumf %max3A_215, %gather3A_234 : vector<16xf32>
      %add3A_236 = arith.constant 42 : i32
      %add3A_237 = vector.broadcast %add3A_236 : i32 to vector<16xi32>
      %add3A_238 = arith.addi %add3A_40, %add3A_237 : vector<16xi32>
      %gather3A_239 = tpu.vector_load_idx %arg5[%add3A_238] : memref<52504xf32, #tpu.memory_space<vmem>>[vector<16xi32>], vector<16xf32>,
      %max3A_240 = arith.maximumf %max3A_220, %gather3A_239 : vector<16xf32>
      %add3A_241 = arith.constant 43 : i32
      %add3A_242 = vector.broadcast %add3A_241 : i32 to vector<16xi32>
      %add3A_243 = arith.addi %add3A_40, %add3A_242 : vector<16xi32>
      %gather3A_244 = tpu.vector_load_idx %arg5[%add3A_243] : memref<52504xf32, #tpu.memory_space<vmem>>[vector<16xi32>], vector<16xf32>,
      %max3A_245 = arith.maximumf %max3A_225, %gather3A_244 : vector<16xf32>
      %add3A_246 = arith.constant 44 : i32
      %add3A_247 = vector.broadcast %add3A_246 : i32 to vector<16xi32>
      %add3A_248 = arith.addi %add3A_40, %add3A_247 : vector<16xi32>
      %gather3A_249 = tpu.vector_load_idx %arg5[%add3A_248] : memref<52504xf32, #tpu.memory_space<vmem>>[vector<16xi32>], vector<16xf32>,
      %max3A_250 = arith.maximumf %max3A_230, %gather3A_249 : vector<16xf32>
      %add3A_251 = arith.constant 45 : i32
      %add3A_252 = vector.broadcast %add3A_251 : i32 to vector<16xi32>
      %add3A_253 = arith.addi %add3A_40, %add3A_252 : vector<16xi32>
      %gather3A_254 = tpu.vector_load_idx %arg5[%add3A_253] : memref<52504xf32, #tpu.memory_space<vmem>>[vector<16xi32>], vector<16xf32>,
      %max3A_255 = arith.maximumf %max3A_235, %gather3A_254 : vector<16xf32>
      %add3A_256 = arith.constant 46 : i32
      %add3A_257 = vector.broadcast %add3A_256 : i32 to vector<16xi32>
      %add3A_258 = arith.addi %add3A_40, %add3A_257 : vector<16xi32>
      %gather3A_259 = tpu.vector_load_idx %arg5[%add3A_258] : memref<52504xf32, #tpu.memory_space<vmem>>[vector<16xi32>], vector<16xf32>,
      %max3A_260 = arith.maximumf %max3A_240, %gather3A_259 : vector<16xf32>
      %add3A_261 = arith.constant 47 : i32
      %add3A_262 = vector.broadcast %add3A_261 : i32 to vector<16xi32>
      %add3A_263 = arith.addi %add3A_40, %add3A_262 : vector<16xi32>
      %gather3A_264 = tpu.vector_load_idx %arg5[%add3A_263] : memref<52504xf32, #tpu.memory_space<vmem>>[vector<16xi32>], vector<16xf32>,
      %max3A_265 = arith.maximumf %max3A_245, %gather3A_264 : vector<16xf32>
      %add3A_266 = arith.constant 48 : i32
      %add3A_267 = vector.broadcast %add3A_266 : i32 to vector<16xi32>
      %add3A_268 = arith.addi %add3A_40, %add3A_267 : vector<16xi32>
      %gather3A_269 = tpu.vector_load_idx %arg5[%add3A_268] : memref<52504xf32, #tpu.memory_space<vmem>>[vector<16xi32>], vector<16xf32>,
      %max3A_270 = arith.maximumf %max3A_250, %gather3A_269 : vector<16xf32>
      %add3A_271 = arith.constant 49 : i32
      %add3A_272 = vector.broadcast %add3A_271 : i32 to vector<16xi32>
      %add3A_273 = arith.addi %add3A_40, %add3A_272 : vector<16xi32>
      %gather3A_274 = tpu.vector_load_idx %arg5[%add3A_273] : memref<52504xf32, #tpu.memory_space<vmem>>[vector<16xi32>], vector<16xf32>,
      %max3A_275 = arith.maximumf %max3A_255, %gather3A_274 : vector<16xf32>
      %add3A_276 = arith.constant 50 : i32
      %add3A_277 = vector.broadcast %add3A_276 : i32 to vector<16xi32>
      %add3A_278 = arith.addi %add3A_40, %add3A_277 : vector<16xi32>
      %gather3A_279 = tpu.vector_load_idx %arg5[%add3A_278] : memref<52504xf32, #tpu.memory_space<vmem>>[vector<16xi32>], vector<16xf32>,
      %max3A_280 = arith.maximumf %max3A_260, %gather3A_279 : vector<16xf32>
      %add3A_281 = arith.constant 51 : i32
      %add3A_282 = vector.broadcast %add3A_281 : i32 to vector<16xi32>
      %add3A_283 = arith.addi %add3A_40, %add3A_282 : vector<16xi32>
      %gather3A_284 = tpu.vector_load_idx %arg5[%add3A_283] : memref<52504xf32, #tpu.memory_space<vmem>>[vector<16xi32>], vector<16xf32>,
      %max3A_285 = arith.maximumf %max3A_265, %gather3A_284 : vector<16xf32>
      %add3A_286 = arith.constant 52 : i32
      %add3A_287 = vector.broadcast %add3A_286 : i32 to vector<16xi32>
      %add3A_288 = arith.addi %add3A_40, %add3A_287 : vector<16xi32>
      %gather3A_289 = tpu.vector_load_idx %arg5[%add3A_288] : memref<52504xf32, #tpu.memory_space<vmem>>[vector<16xi32>], vector<16xf32>,
      %max3A_290 = arith.maximumf %max3A_270, %gather3A_289 : vector<16xf32>
      %add3A_291 = arith.constant 53 : i32
      %add3A_292 = vector.broadcast %add3A_291 : i32 to vector<16xi32>
      %add3A_293 = arith.addi %add3A_40, %add3A_292 : vector<16xi32>
      %gather3A_294 = tpu.vector_load_idx %arg5[%add3A_293] : memref<52504xf32, #tpu.memory_space<vmem>>[vector<16xi32>], vector<16xf32>,
      %max3A_295 = arith.maximumf %max3A_275, %gather3A_294 : vector<16xf32>
      %add3A_296 = arith.constant 54 : i32
      %add3A_297 = vector.broadcast %add3A_296 : i32 to vector<16xi32>
      %add3A_298 = arith.addi %add3A_40, %add3A_297 : vector<16xi32>
      %gather3A_299 = tpu.vector_load_idx %arg5[%add3A_298] : memref<52504xf32, #tpu.memory_space<vmem>>[vector<16xi32>], vector<16xf32>,
      %max3A_300 = arith.maximumf %max3A_280, %gather3A_299 : vector<16xf32>
      %add3A_301 = arith.constant 55 : i32
      %add3A_302 = vector.broadcast %add3A_301 : i32 to vector<16xi32>
      %add3A_303 = arith.addi %add3A_40, %add3A_302 : vector<16xi32>
      %gather3A_304 = tpu.vector_load_idx %arg5[%add3A_303] : memref<52504xf32, #tpu.memory_space<vmem>>[vector<16xi32>], vector<16xf32>,
      %max3A_305 = arith.maximumf %max3A_285, %gather3A_304 : vector<16xf32>
      %add3A_306 = arith.constant 56 : i32
      %add3A_307 = vector.broadcast %add3A_306 : i32 to vector<16xi32>
      %add3A_308 = arith.addi %add3A_40, %add3A_307 : vector<16xi32>
      %gather3A_309 = tpu.vector_load_idx %arg5[%add3A_308] : memref<52504xf32, #tpu.memory_space<vmem>>[vector<16xi32>], vector<16xf32>,
      %max3A_310 = arith.maximumf %max3A_290, %gather3A_309 : vector<16xf32>
      %add3A_311 = arith.constant 57 : i32
      %add3A_312 = vector.broadcast %add3A_311 : i32 to vector<16xi32>
      %add3A_313 = arith.addi %add3A_40, %add3A_312 : vector<16xi32>
      %gather3A_314 = tpu.vector_load_idx %arg5[%add3A_313] : memref<52504xf32, #tpu.memory_space<vmem>>[vector<16xi32>], vector<16xf32>,
      %max3A_315 = arith.maximumf %max3A_295, %gather3A_314 : vector<16xf32>
      %add3A_316 = arith.constant 58 : i32
      %add3A_317 = vector.broadcast %add3A_316 : i32 to vector<16xi32>
      %add3A_318 = arith.addi %add3A_40, %add3A_317 : vector<16xi32>
      %gather3A_319 = tpu.vector_load_idx %arg5[%add3A_318] : memref<52504xf32, #tpu.memory_space<vmem>>[vector<16xi32>], vector<16xf32>,
      %max3A_320 = arith.maximumf %max3A_300, %gather3A_319 : vector<16xf32>
      %add3A_321 = arith.constant 59 : i32
      %add3A_322 = vector.broadcast %add3A_321 : i32 to vector<16xi32>
      %add3A_323 = arith.addi %add3A_40, %add3A_322 : vector<16xi32>
      %gather3A_324 = tpu.vector_load_idx %arg5[%add3A_323] : memref<52504xf32, #tpu.memory_space<vmem>>[vector<16xi32>], vector<16xf32>,
      %max3A_325 = arith.maximumf %max3A_305, %gather3A_324 : vector<16xf32>
      %add3A_326 = arith.constant 60 : i32
      %add3A_327 = vector.broadcast %add3A_326 : i32 to vector<16xi32>
      %add3A_328 = arith.addi %add3A_40, %add3A_327 : vector<16xi32>
      %gather3A_329 = tpu.vector_load_idx %arg5[%add3A_328] : memref<52504xf32, #tpu.memory_space<vmem>>[vector<16xi32>], vector<16xf32>,
      %max3A_330 = arith.maximumf %max3A_310, %gather3A_329 : vector<16xf32>
      %add3A_331 = arith.constant 61 : i32
      %add3A_332 = vector.broadcast %add3A_331 : i32 to vector<16xi32>
      %add3A_333 = arith.addi %add3A_40, %add3A_332 : vector<16xi32>
      %gather3A_334 = tpu.vector_load_idx %arg5[%add3A_333] : memref<52504xf32, #tpu.memory_space<vmem>>[vector<16xi32>], vector<16xf32>,
      %max3A_335 = arith.maximumf %max3A_315, %gather3A_334 : vector<16xf32>
      %add3A_336 = arith.constant 62 : i32
      %add3A_337 = vector.broadcast %add3A_336 : i32 to vector<16xi32>
      %add3A_338 = arith.addi %add3A_40, %add3A_337 : vector<16xi32>
      %gather3A_339 = tpu.vector_load_idx %arg5[%add3A_338] : memref<52504xf32, #tpu.memory_space<vmem>>[vector<16xi32>], vector<16xf32>,
      %max3A_340 = arith.maximumf %max3A_320, %gather3A_339 : vector<16xf32>
      %add3A_341 = arith.constant 63 : i32
      %add3A_342 = vector.broadcast %add3A_341 : i32 to vector<16xi32>
      %add3A_343 = arith.addi %add3A_40, %add3A_342 : vector<16xi32>
      %gather3A_344 = tpu.vector_load_idx %arg5[%add3A_343] : memref<52504xf32, #tpu.memory_space<vmem>>[vector<16xi32>], vector<16xf32>,
      %max3A_345 = arith.maximumf %max3A_325, %gather3A_344 : vector<16xf32>
      %add3A_346 = arith.constant 64 : i32
      %add3A_347 = vector.broadcast %add3A_346 : i32 to vector<16xi32>
      %add3A_348 = arith.addi %add3A_40, %add3A_347 : vector<16xi32>
      %gather3A_349 = tpu.vector_load_idx %arg5[%add3A_348] : memref<52504xf32, #tpu.memory_space<vmem>>[vector<16xi32>], vector<16xf32>,
      %max3A_350 = arith.maximumf %max3A_330, %gather3A_349 : vector<16xf32>
      %add3A_351 = arith.constant 65 : i32
      %add3A_352 = vector.broadcast %add3A_351 : i32 to vector<16xi32>
      %add3A_353 = arith.addi %add3A_40, %add3A_352 : vector<16xi32>
      %gather3A_354 = tpu.vector_load_idx %arg5[%add3A_353] : memref<52504xf32, #tpu.memory_space<vmem>>[vector<16xi32>], vector<16xf32>,
      %max3A_355 = arith.maximumf %max3A_335, %gather3A_354 : vector<16xf32>
      %add3A_356 = arith.constant 66 : i32
      %add3A_357 = vector.broadcast %add3A_356 : i32 to vector<16xi32>
      %add3A_358 = arith.addi %add3A_40, %add3A_357 : vector<16xi32>
      %gather3A_359 = tpu.vector_load_idx %arg5[%add3A_358] : memref<52504xf32, #tpu.memory_space<vmem>>[vector<16xi32>], vector<16xf32>,
      %max3A_360 = arith.maximumf %max3A_340, %gather3A_359 : vector<16xf32>
      %add3A_361 = arith.constant 67 : i32
      %add3A_362 = vector.broadcast %add3A_361 : i32 to vector<16xi32>
      %add3A_363 = arith.addi %add3A_40, %add3A_362 : vector<16xi32>
      %gather3A_364 = tpu.vector_load_idx %arg5[%add3A_363] : memref<52504xf32, #tpu.memory_space<vmem>>[vector<16xi32>], vector<16xf32>,
      %max3A_365 = arith.maximumf %max3A_345, %gather3A_364 : vector<16xf32>
      %add3A_366 = arith.constant 68 : i32
      %add3A_367 = vector.broadcast %add3A_366 : i32 to vector<16xi32>
      %add3A_368 = arith.addi %add3A_40, %add3A_367 : vector<16xi32>
      %gather3A_369 = tpu.vector_load_idx %arg5[%add3A_368] : memref<52504xf32, #tpu.memory_space<vmem>>[vector<16xi32>], vector<16xf32>,
      %max3A_370 = arith.maximumf %max3A_350, %gather3A_369 : vector<16xf32>
      %add3A_371 = arith.constant 69 : i32
      %add3A_372 = vector.broadcast %add3A_371 : i32 to vector<16xi32>
      %add3A_373 = arith.addi %add3A_40, %add3A_372 : vector<16xi32>
      %gather3A_374 = tpu.vector_load_idx %arg5[%add3A_373] : memref<52504xf32, #tpu.memory_space<vmem>>[vector<16xi32>], vector<16xf32>,
      %max3A_375 = arith.maximumf %max3A_355, %gather3A_374 : vector<16xf32>
      %add3A_376 = arith.constant 70 : i32
      %add3A_377 = vector.broadcast %add3A_376 : i32 to vector<16xi32>
      %add3A_378 = arith.addi %add3A_40, %add3A_377 : vector<16xi32>
      %gather3A_379 = tpu.vector_load_idx %arg5[%add3A_378] : memref<52504xf32, #tpu.memory_space<vmem>>[vector<16xi32>], vector<16xf32>,
      %max3A_380 = arith.maximumf %max3A_360, %gather3A_379 : vector<16xf32>
      %add3A_381 = arith.constant 71 : i32
      %add3A_382 = vector.broadcast %add3A_381 : i32 to vector<16xi32>
      %add3A_383 = arith.addi %add3A_40, %add3A_382 : vector<16xi32>
      %gather3A_384 = tpu.vector_load_idx %arg5[%add3A_383] : memref<52504xf32, #tpu.memory_space<vmem>>[vector<16xi32>], vector<16xf32>,
      %max3A_385 = arith.maximumf %max3A_365, %gather3A_384 : vector<16xf32>
      %add3A_386 = arith.constant 72 : i32
      %add3A_387 = vector.broadcast %add3A_386 : i32 to vector<16xi32>
      %add3A_388 = arith.addi %add3A_40, %add3A_387 : vector<16xi32>
      %gather3A_389 = tpu.vector_load_idx %arg5[%add3A_388] : memref<52504xf32, #tpu.memory_space<vmem>>[vector<16xi32>], vector<16xf32>,
      %max3A_390 = arith.maximumf %max3A_370, %gather3A_389 : vector<16xf32>
      %add3A_391 = arith.constant 73 : i32
      %add3A_392 = vector.broadcast %add3A_391 : i32 to vector<16xi32>
      %add3A_393 = arith.addi %add3A_40, %add3A_392 : vector<16xi32>
      %gather3A_394 = tpu.vector_load_idx %arg5[%add3A_393] : memref<52504xf32, #tpu.memory_space<vmem>>[vector<16xi32>], vector<16xf32>,
      %max3A_395 = arith.maximumf %max3A_375, %gather3A_394 : vector<16xf32>
      %add3A_396 = arith.constant 74 : i32
      %add3A_397 = vector.broadcast %add3A_396 : i32 to vector<16xi32>
      %add3A_398 = arith.addi %add3A_40, %add3A_397 : vector<16xi32>
      %gather3A_399 = tpu.vector_load_idx %arg5[%add3A_398] : memref<52504xf32, #tpu.memory_space<vmem>>[vector<16xi32>], vector<16xf32>,
      %max3A_400 = arith.maximumf %max3A_380, %gather3A_399 : vector<16xf32>
      %add3A_401 = arith.constant 75 : i32
      %add3A_402 = vector.broadcast %add3A_401 : i32 to vector<16xi32>
      %add3A_403 = arith.addi %add3A_40, %add3A_402 : vector<16xi32>
      %gather3A_404 = tpu.vector_load_idx %arg5[%add3A_403] : memref<52504xf32, #tpu.memory_space<vmem>>[vector<16xi32>], vector<16xf32>,
      %max3A_405 = arith.maximumf %max3A_385, %gather3A_404 : vector<16xf32>
      %add3A_406 = arith.constant 76 : i32
      %add3A_407 = vector.broadcast %add3A_406 : i32 to vector<16xi32>
      %add3A_408 = arith.addi %add3A_40, %add3A_407 : vector<16xi32>
      %gather3A_409 = tpu.vector_load_idx %arg5[%add3A_408] : memref<52504xf32, #tpu.memory_space<vmem>>[vector<16xi32>], vector<16xf32>,
      %max3A_410 = arith.maximumf %max3A_390, %gather3A_409 : vector<16xf32>
      %add3A_411 = arith.constant 77 : i32
      %add3A_412 = vector.broadcast %add3A_411 : i32 to vector<16xi32>
      %add3A_413 = arith.addi %add3A_40, %add3A_412 : vector<16xi32>
      %gather3A_414 = tpu.vector_load_idx %arg5[%add3A_413] : memref<52504xf32, #tpu.memory_space<vmem>>[vector<16xi32>], vector<16xf32>,
      %max3A_415 = arith.maximumf %max3A_395, %gather3A_414 : vector<16xf32>
      %add3A_416 = arith.constant 78 : i32
      %add3A_417 = vector.broadcast %add3A_416 : i32 to vector<16xi32>
      %add3A_418 = arith.addi %add3A_40, %add3A_417 : vector<16xi32>
      %gather3A_419 = tpu.vector_load_idx %arg5[%add3A_418] : memref<52504xf32, #tpu.memory_space<vmem>>[vector<16xi32>], vector<16xf32>,
      %max3A_420 = arith.maximumf %max3A_400, %gather3A_419 : vector<16xf32>
      %add3A_421 = arith.constant 79 : i32
      %add3A_422 = vector.broadcast %add3A_421 : i32 to vector<16xi32>
      %add3A_423 = arith.addi %add3A_40, %add3A_422 : vector<16xi32>
      %gather3A_424 = tpu.vector_load_idx %arg5[%add3A_423] : memref<52504xf32, #tpu.memory_space<vmem>>[vector<16xi32>], vector<16xf32>,
      %max3A_425 = arith.maximumf %max3A_405, %gather3A_424 : vector<16xf32>
      %add3A_426 = arith.constant 80 : i32
      %add3A_427 = vector.broadcast %add3A_426 : i32 to vector<16xi32>
      %add3A_428 = arith.addi %add3A_40, %add3A_427 : vector<16xi32>
      %gather3A_429 = tpu.vector_load_idx %arg5[%add3A_428] : memref<52504xf32, #tpu.memory_space<vmem>>[vector<16xi32>], vector<16xf32>,
      %max3A_430 = arith.maximumf %max3A_410, %gather3A_429 : vector<16xf32>
      %add3A_431 = arith.constant 81 : i32
      %add3A_432 = vector.broadcast %add3A_431 : i32 to vector<16xi32>
      %add3A_433 = arith.addi %add3A_40, %add3A_432 : vector<16xi32>
      %gather3A_434 = tpu.vector_load_idx %arg5[%add3A_433] : memref<52504xf32, #tpu.memory_space<vmem>>[vector<16xi32>], vector<16xf32>,
      %max3A_435 = arith.maximumf %max3A_415, %gather3A_434 : vector<16xf32>
      %add3A_436 = arith.constant 82 : i32
      %add3A_437 = vector.broadcast %add3A_436 : i32 to vector<16xi32>
      %add3A_438 = arith.addi %add3A_40, %add3A_437 : vector<16xi32>
      %gather3A_439 = tpu.vector_load_idx %arg5[%add3A_438] : memref<52504xf32, #tpu.memory_space<vmem>>[vector<16xi32>], vector<16xf32>,
      %max3A_440 = arith.maximumf %max3A_420, %gather3A_439 : vector<16xf32>
      %add3A_441 = arith.constant 83 : i32
      %add3A_442 = vector.broadcast %add3A_441 : i32 to vector<16xi32>
      %add3A_443 = arith.addi %add3A_40, %add3A_442 : vector<16xi32>
      %gather3A_444 = tpu.vector_load_idx %arg5[%add3A_443] : memref<52504xf32, #tpu.memory_space<vmem>>[vector<16xi32>], vector<16xf32>,
      %max3A_445 = arith.maximumf %max3A_425, %gather3A_444 : vector<16xf32>
      %max3A_446 = arith.maximumf %max3A_430, %max3A_435 : vector<16xf32>
      %max3A_447 = arith.maximumf %max3A_440, %max3A_445 : vector<16xf32>
      %max3A_448 = arith.maximumf %max3A_446, %max3A_447 : vector<16xf32>
      %gather3A_449 = tpu.vector_load_idx %arg5[%add3A_40] : memref<52504xf32, #tpu.memory_space<vmem>>[vector<16xi32>], vector<16xf32>,
      %add3A_450 = arith.constant 1 : i32
      %add3A_451 = vector.broadcast %add3A_450 : i32 to vector<16xi32>
      %add3A_452 = arith.addi %add3A_40, %add3A_451 : vector<16xi32>
      %gather3A_453 = tpu.vector_load_idx %arg5[%add3A_452] : memref<52504xf32, #tpu.memory_space<vmem>>[vector<16xi32>], vector<16xf32>,
      %add3A_454 = arith.addf %gather3A_449, %gather3A_453 : vector<16xf32>
      %add3A_455 = arith.constant 2 : i32
      %add3A_456 = vector.broadcast %add3A_455 : i32 to vector<16xi32>
      %add3A_457 = arith.addi %add3A_40, %add3A_456 : vector<16xi32>
      %gather3A_458 = tpu.vector_load_idx %arg5[%add3A_457] : memref<52504xf32, #tpu.memory_space<vmem>>[vector<16xi32>], vector<16xf32>,
      %add3A_459 = arith.addf %add3A_454, %gather3A_458 : vector<16xf32>
      %add3A_460 = arith.constant 3 : i32
      %add3A_461 = vector.broadcast %add3A_460 : i32 to vector<16xi32>
      %add3A_462 = arith.addi %add3A_40, %add3A_461 : vector<16xi32>
      %gather3A_463 = tpu.vector_load_idx %arg5[%add3A_462] : memref<52504xf32, #tpu.memory_space<vmem>>[vector<16xi32>], vector<16xf32>,
      %add3A_464 = arith.addf %add3A_459, %gather3A_463 : vector<16xf32>
      %jit3A_465 = arith.constant 0xFF800000 : f32
      %broadcast_in_dim3A_466 = vector.broadcast %jit3A_465 : f32 to vector<16xf32>
      %select_n3A_467 = arith.select %lt3A_33, %max3A_448, %broadcast_in_dim3A_466 : vector<16xi1>, vector<16xf32>
      %mul3A_468 = arith.constant 16 : i32
      %mul3A_469 = arith.muli %scan3A_27, %mul3A_468 : i32
      %swap3A = arith.index_cast %mul3A_469 : i32 to index
      %swap3A_470 = tpu.vector_load %arg6[%swap3A] {strides = array<i32>} : memref<640xf32, #tpu.memory_space<vmem>>, vector<16xf32>,
      tpu.vector_store %arg6[%swap3A], %select_n3A_467 {strides = array<i32>} : memref<640xf32, #tpu.memory_space<vmem>>, vector<16xf32>,
      %jit3A_471 = arith.constant 0.000000e+00 : f32
      %broadcast_in_dim3A_472 = vector.broadcast %jit3A_471 : f32 to vector<16xf32>
      %select_n3A_473 = arith.select %lt3A_33, %add3A_464, %broadcast_in_dim3A_472 : vector<16xi1>, vector<16xf32>
      %mul3A_474 = arith.constant 16 : i32
      %mul3A_475 = arith.muli %scan3A_27, %mul3A_474 : i32
      %swap3A_476 = arith.index_cast %mul3A_475 : i32 to index
      %swap3A_477 = tpu.vector_load %arg7[%swap3A_476] {strides = array<i32>} : memref<640xf32, #tpu.memory_space<vmem>>, vector<16xf32>,
      tpu.vector_store %arg7[%swap3A_476], %select_n3A_473 {strides = array<i32>} : memref<640xf32, #tpu.memory_space<vmem>>, vector<16xf32>,
    }
    %scan3A_26 = arith.constant 40 : i32
    "tpu.region"() ({
      %run_scoped3A = tpu.sem_alloc : memref<!tpu.dma_semaphore, #tpu.memory_space<semaphore_mem>>
      %dma_start3A = arith.constant 0 : i32
      %dma_start3A_27 = tpu.memref_slice %arg3[%add3A, %dma_start3A] : memref<32x640xf32, #tpu.memory_space<hbm>> -> memref<1x640xf32, #tpu.memory_space<hbm>>
      %dma_start3A_28 = tpu.memref_squeeze %dma_start3A_27 : memref<1x640xf32, #tpu.memory_space<hbm>> -> memref<640xf32, #tpu.memory_space<hbm>>
      %dma_start3A_29 = arith.constant 0 : i32
      %dma_start3A_30 = tpu.memref_slice %arg3[%add3A, %dma_start3A_29] : memref<32x640xf32, #tpu.memory_space<hbm>> -> memref<1x640xf32, #tpu.memory_space<hbm>>
      %dma_start3A_31 = tpu.memref_squeeze %dma_start3A_30 : memref<1x640xf32, #tpu.memory_space<hbm>> -> memref<640xf32, #tpu.memory_space<hbm>>
      tpu.enqueue_dma source(%arg6 : memref<640xf32, #tpu.memory_space<vmem>>) target(%dma_start3A_31 : memref<640xf32, #tpu.memory_space<hbm>>) target_semaphore(%run_scoped3A : memref<!tpu.dma_semaphore, #tpu.memory_space<semaphore_mem>>)
      %dma_wait3A = arith.constant 0 : i32
      %dma_wait3A_32 = tpu.memref_slice %arg3[%add3A, %dma_wait3A] : memref<32x640xf32, #tpu.memory_space<hbm>> -> memref<1x640xf32, #tpu.memory_space<hbm>>
      %dma_wait3A_33 = tpu.memref_squeeze %dma_wait3A_32 : memref<1x640xf32, #tpu.memory_space<hbm>> -> memref<640xf32, #tpu.memory_space<hbm>>
      %dma_wait3A_34 = arith.constant 0 : i32
      %dma_wait3A_35 = tpu.memref_slice %arg3[%add3A, %dma_wait3A_34] : memref<32x640xf32, #tpu.memory_space<hbm>> -> memref<1x640xf32, #tpu.memory_space<hbm>>
      %dma_wait3A_36 = tpu.memref_squeeze %dma_wait3A_35 : memref<1x640xf32, #tpu.memory_space<hbm>> -> memref<640xf32, #tpu.memory_space<hbm>>
      tpu.wait_dma2 semaphore(%run_scoped3A : memref<!tpu.dma_semaphore, #tpu.memory_space<semaphore_mem>>) src(%arg6 : memref<640xf32, #tpu.memory_space<vmem>>) dst(%dma_wait3A_36 : memref<640xf32, #tpu.memory_space<hbm>>)
      tpu.yield
    }) : () -> ()
    "tpu.region"() ({
      %run_scoped3A = tpu.sem_alloc : memref<!tpu.dma_semaphore, #tpu.memory_space<semaphore_mem>>
      %dma_start3A = arith.constant 0 : i32
      %dma_start3A_27 = tpu.memref_slice %arg4[%add3A, %dma_start3A] : memref<32x640xf32, #tpu.memory_space<hbm>> -> memref<1x640xf32, #tpu.memory_space<hbm>>
      %dma_start3A_28 = tpu.memref_squeeze %dma_start3A_27 : memref<1x640xf32, #tpu.memory_space<hbm>> -> memref<640xf32, #tpu.memory_space<hbm>>
      %dma_start3A_29 = arith.constant 0 : i32
      %dma_start3A_30 = tpu.memref_slice %arg4[%add3A, %dma_start3A_29] : memref<32x640xf32, #tpu.memory_space<hbm>> -> memref<1x640xf32, #tpu.memory_space<hbm>>
      %dma_start3A_31 = tpu.memref_squeeze %dma_start3A_30 : memref<1x640xf32, #tpu.memory_space<hbm>> -> memref<640xf32, #tpu.memory_space<hbm>>
      tpu.enqueue_dma source(%arg7 : memref<640xf32, #tpu.memory_space<vmem>>) target(%dma_start3A_31 : memref<640xf32, #tpu.memory_space<hbm>>) target_semaphore(%run_scoped3A : memref<!tpu.dma_semaphore, #tpu.memory_space<semaphore_mem>>)
      %dma_wait3A = arith.constant 0 : i32
      %dma_wait3A_32 = tpu.memref_slice %arg4[%add3A, %dma_wait3A] : memref<32x640xf32, #tpu.memory_space<hbm>> -> memref<1x640xf32, #tpu.memory_space<hbm>>
      %dma_wait3A_33 = tpu.memref_squeeze %dma_wait3A_32 : memref<1x640xf32, #tpu.memory_space<hbm>> -> memref<640xf32, #tpu.memory_space<hbm>>
      %dma_wait3A_34 = arith.constant 0 : i32
      %dma_wait3A_35 = tpu.memref_slice %arg4[%add3A, %dma_wait3A_34] : memref<32x640xf32, #tpu.memory_space<hbm>> -> memref<1x640xf32, #tpu.memory_space<hbm>>
      %dma_wait3A_36 = tpu.memref_squeeze %dma_wait3A_35 : memref<1x640xf32, #tpu.memory_space<hbm>> -> memref<640xf32, #tpu.memory_space<hbm>>
      tpu.wait_dma2 semaphore(%run_scoped3A : memref<!tpu.dma_semaphore, #tpu.memory_space<semaphore_mem>>) src(%arg7 : memref<640xf32, #tpu.memory_space<vmem>>) dst(%dma_wait3A_36 : memref<640xf32, #tpu.memory_space<hbm>>)
      tpu.yield
    }) : () -> ()
    return
  }
}

module attributes {stable_mosaic.version = 14 : i64} {
  func.func @_tc_select_body(%arg0: memref<32x640xf32, #tpu.memory_space<vmem>>, %arg1: memref<32x640xf32, #tpu.memory_space<vmem>>, %arg2: memref<1x1xf32, #tpu.memory_space<smem>>) attributes {dimension_semantics = [], scalar_prefetch = 0 : i64, scratch_operands = 0 : i64, tpu.core_type = #tpu.core_type<tc>} {
    %get3A = arith.constant 0 : index
    %get3A_0 = arith.constant 0 : index
    %get3A_1 = vector.load %arg0[%get3A, %get3A_0] : memref<32x640xf32, #tpu.memory_space<vmem>>, vector<32x640xf32>
    %get3A_2 = arith.constant 0 : index
    %get3A_3 = arith.constant 0 : index
    %get3A_4 = vector.load %arg1[%get3A_2, %get3A_3] : memref<32x640xf32, #tpu.memory_space<vmem>>, vector<32x640xf32>
    %iota3A = tpu.iota {dimensions = array<i32: 1>} : vector<32x640xi32>
    %iota3A_5 = tpu.iota {dimensions = array<i32: 0>} : vector<32x640xi32>
    %lt3A = arith.constant 625 : i32
    %lt3A_6 = vector.broadcast %lt3A : i32 to vector<32x640xi32>
    %lt3A_7 = arith.cmpi slt, %iota3A, %lt3A_6 : vector<32x640xi32>
    %bitcast_convert_type3A = tpu.bitcast %get3A_1 : vector<32x640xf32> -> vector<32x640xi32>
    %ge3A = arith.constant 0 : i32
    %ge3A_8 = vector.broadcast %ge3A : i32 to vector<32x640xi32>
    %ge3A_9 = arith.cmpi sge, %bitcast_convert_type3A, %ge3A_8 : vector<32x640xi32>
    %not3A = arith.constant dense<-1> : vector<32x640xi32>
    %not3A_10 = arith.xori %bitcast_convert_type3A, %not3A : vector<32x640xi32>
    %xor3A = arith.constant -2147483648 : i32
    %xor3A_11 = vector.broadcast %xor3A : i32 to vector<32x640xi32>
    %xor3A_12 = arith.xori %not3A_10, %xor3A_11 : vector<32x640xi32>
    %select_n3A = arith.select %ge3A_9, %bitcast_convert_type3A, %xor3A_12 : vector<32x640xi1>, vector<32x640xi32>
    %jit3A = arith.constant -2147483648 : i32
    %broadcast_in_dim3A = vector.broadcast %jit3A : i32 to vector<32x640xi32>
    %select_n3A_13 = arith.select %lt3A_7, %select_n3A, %broadcast_in_dim3A : vector<32x640xi1>, vector<32x640xi32>
    %mul3A = arith.constant 625 : i32
    %mul3A_14 = vector.broadcast %mul3A : i32 to vector<32x640xi32>
    %mul3A_15 = arith.muli %iota3A_5, %mul3A_14 : vector<32x640xi32>
    %add3A = arith.addi %mul3A_15, %iota3A : vector<32x640xi32>
    %jit3A_16 = arith.constant 1073741824 : i32
    %broadcast_in_dim3A_17 = vector.broadcast %jit3A_16 : i32 to vector<32x640xi32>
    %select_n3A_18 = arith.select %lt3A_7, %add3A, %broadcast_in_dim3A_17 : vector<32x640xi1>, vector<32x640xi32>
    %scan3A = arith.constant 0 : i32
    %scan3A_19 = arith.constant 0 : i32
    %scan3A_20 = arith.constant 32 : i32
    %scan3A_21 = arith.addi %scan3A_19, %scan3A_20 : i32
    %scan3A_22 = arith.constant 1 : i32
    %scan3A_23 = scf.for %scan3A_91 = %scan3A_19 to %scan3A_21 step %scan3A_22 iter_args(%scan3A_92 = %scan3A) -> (i32)  : i32 {
      %sub3A_93 = arith.constant 31 : i32
      %sub3A_94 = arith.subi %sub3A_93, %scan3A_91 : i32
      %shift_left3A = arith.constant 1 : i32
      %shift_left3A_95 = arith.shli %shift_left3A, %sub3A_94 : i32
      %or3A = arith.ori %scan3A_92, %shift_left3A_95 : i32
      %xor3A_96 = arith.constant -2147483648 : i32
      %xor3A_97 = arith.xori %or3A, %xor3A_96 : i32
      %ge3A_98 = vector.broadcast %xor3A_97 : i32 to vector<32x640xi32>
      %ge3A_99 = arith.cmpi sge, %select_n3A_13, %ge3A_98 : vector<32x640xi32>
      %convert_element_type3A_100 = arith.extui %ge3A_99 : vector<32x640xi1> to vector<32x640xi32>
      %reduce_sum3A_101 = vector.shape_cast %convert_element_type3A_100 : vector<32x640xi32> to vector<1x32x640xi32>
      %reduce_sum3A_102 = arith.constant dense<0> : vector<1xi32>
      %reduce_sum3A_103 = vector.multi_reduction <add>, %reduce_sum3A_101, %reduce_sum3A_102 [1, 2] : vector<1x32x640xi32> to vector<1xi32>
      %reduce_sum3A_104 = vector.shape_cast %reduce_sum3A_103 : vector<1xi32> to vector<1x1x1xi32>
      %reduce_sum3A_105 = vector.extract %reduce_sum3A_104[0, 0, 0] : i32 from vector<1x1x1xi32>
      %ge3A_106 = arith.constant 2000 : i32
      %ge3A_107 = arith.cmpi sge, %reduce_sum3A_105, %ge3A_106 : i32
      %select_n3A_108 = arith.select %ge3A_107, %or3A, %scan3A_92 : i32
      scf.yield %select_n3A_108 : i32
    }
    %scan3A_24 = arith.constant 32 : i32
    %xor3A_25 = arith.constant -2147483648 : i32
    %xor3A_26 = arith.xori %scan3A_23, %xor3A_25 : i32
    %gt3A = vector.broadcast %xor3A_26 : i32 to vector<32x640xi32>
    %gt3A_27 = arith.cmpi sgt, %select_n3A_13, %gt3A : vector<32x640xi32>
    %convert_element_type3A = arith.extui %gt3A_27 : vector<32x640xi1> to vector<32x640xi32>
    %reduce_sum3A = vector.shape_cast %convert_element_type3A : vector<32x640xi32> to vector<1x32x640xi32>
    %reduce_sum3A_28 = arith.constant dense<0> : vector<1xi32>
    %reduce_sum3A_29 = vector.multi_reduction <add>, %reduce_sum3A, %reduce_sum3A_28 [1, 2] : vector<1x32x640xi32> to vector<1xi32>
    %reduce_sum3A_30 = vector.shape_cast %reduce_sum3A_29 : vector<1xi32> to vector<1x1x1xi32>
    %reduce_sum3A_31 = vector.extract %reduce_sum3A_30[0, 0, 0] : i32 from vector<1x1x1xi32>
    %sub3A = arith.constant 2000 : i32
    %sub3A_32 = arith.subi %sub3A, %reduce_sum3A_31 : i32
    %eq3A = vector.broadcast %xor3A_26 : i32 to vector<32x640xi32>
    %eq3A_33 = arith.cmpi eq, %select_n3A_13, %eq3A : vector<32x640xi32>
    %scan3A_34 = arith.constant 0 : i32
    %scan3A_35 = arith.constant 0 : i32
    %scan3A_36 = arith.constant 15 : i32
    %scan3A_37 = arith.addi %scan3A_35, %scan3A_36 : i32
    %scan3A_38 = arith.constant 1 : i32
    %scan3A_39 = scf.for %scan3A_91 = %scan3A_35 to %scan3A_37 step %scan3A_38 iter_args(%scan3A_92 = %scan3A_34) -> (i32)  : i32 {
      %sub3A_93 = arith.constant 14 : i32
      %sub3A_94 = arith.subi %sub3A_93, %scan3A_91 : i32
      %shift_left3A = arith.constant 1 : i32
      %shift_left3A_95 = arith.shli %shift_left3A, %sub3A_94 : i32
      %or3A = arith.ori %scan3A_92, %shift_left3A_95 : i32
      %lt3A_96 = vector.broadcast %or3A : i32 to vector<32x640xi32>
      %lt3A_97 = arith.cmpi slt, %select_n3A_18, %lt3A_96 : vector<32x640xi32>
      %and3A_98 = arith.andi %eq3A_33, %lt3A_97 : vector<32x640xi1>
      %convert_element_type3A_99 = arith.extui %and3A_98 : vector<32x640xi1> to vector<32x640xi32>
      %reduce_sum3A_100 = vector.shape_cast %convert_element_type3A_99 : vector<32x640xi32> to vector<1x32x640xi32>
      %reduce_sum3A_101 = arith.constant dense<0> : vector<1xi32>
      %reduce_sum3A_102 = vector.multi_reduction <add>, %reduce_sum3A_100, %reduce_sum3A_101 [1, 2] : vector<1x32x640xi32> to vector<1xi32>
      %reduce_sum3A_103 = vector.shape_cast %reduce_sum3A_102 : vector<1xi32> to vector<1x1x1xi32>
      %reduce_sum3A_104 = vector.extract %reduce_sum3A_103[0, 0, 0] : i32 from vector<1x1x1xi32>
      %lt3A_105 = arith.cmpi slt, %reduce_sum3A_104, %sub3A_32 : i32
      %select_n3A_106 = arith.select %lt3A_105, %or3A, %scan3A_92 : i32
      scf.yield %select_n3A_106 : i32
    }
    %scan3A_40 = arith.constant 15 : i32
    %lt3A_41 = arith.constant 0 : i32
    %lt3A_42 = arith.cmpi slt, %scan3A_23, %lt3A_41 : i32
    %xor3A_43 = arith.constant -2147483648 : i32
    %xor3A_44 = arith.xori %scan3A_23, %xor3A_43 : i32
    %not3A_45 = arith.constant -1 : i32
    %not3A_46 = arith.xori %scan3A_23, %not3A_45 : i32
    %select_n3A_47 = arith.select %lt3A_42, %xor3A_44, %not3A_46 : i32
    %bitcast_convert_type3A_48 = arith.bitcast %select_n3A_47 : i32 to f32
    %gt3A_49 = vector.broadcast %xor3A_26 : i32 to vector<32x640xi32>
    %gt3A_50 = arith.cmpi sgt, %select_n3A_13, %gt3A_49 : vector<32x640xi32>
    %add3A_51 = arith.addf %get3A_1, %get3A_4 : vector<32x640xf32>
    %jit3A_52 = arith.constant 0.000000e+00 : f32
    %broadcast_in_dim3A_53 = vector.broadcast %jit3A_52 : f32 to vector<32x640xf32>
    %select_n3A_54 = arith.select %gt3A_50, %add3A_51, %broadcast_in_dim3A_53 : vector<32x640xi1>, vector<32x640xf32>
    %reduce_sum3A_55 = vector.shape_cast %select_n3A_54 : vector<32x640xf32> to vector<1x32x640xf32>
    %reduce_sum3A_56 = arith.constant dense<0.000000e+00> : vector<1xf32>
    %reduce_sum3A_57 = vector.multi_reduction <add>, %reduce_sum3A_55, %reduce_sum3A_56 [1, 2] : vector<1x32x640xf32> to vector<1xf32>
    %reduce_sum3A_58 = vector.shape_cast %reduce_sum3A_57 : vector<1xf32> to vector<1x1x1xf32>
    %reduce_sum3A_59 = vector.extract %reduce_sum3A_58[0, 0, 0] : f32 from vector<1x1x1xf32>
    %le3A = vector.broadcast %scan3A_39 : i32 to vector<32x640xi32>
    %le3A_60 = arith.cmpi sle, %select_n3A_18, %le3A : vector<32x640xi32>
    %and3A = arith.andi %eq3A_33, %le3A_60 : vector<32x640xi1>
    %jit3A_61 = arith.constant 0.000000e+00 : f32
    %broadcast_in_dim3A_62 = vector.broadcast %jit3A_61 : f32 to vector<32x640xf32>
    %select_n3A_63 = arith.select %and3A, %get3A_4, %broadcast_in_dim3A_62 : vector<32x640xi1>, vector<32x640xf32>
    %reduce_sum3A_64 = vector.shape_cast %select_n3A_63 : vector<32x640xf32> to vector<1x32x640xf32>
    %reduce_sum3A_65 = arith.constant dense<0.000000e+00> : vector<1xf32>
    %reduce_sum3A_66 = vector.multi_reduction <add>, %reduce_sum3A_64, %reduce_sum3A_65 [1, 2] : vector<1x32x640xf32> to vector<1xf32>
    %reduce_sum3A_67 = vector.shape_cast %reduce_sum3A_66 : vector<1xf32> to vector<1x1x1xf32>
    %reduce_sum3A_68 = vector.extract %reduce_sum3A_67[0, 0, 0] : f32 from vector<1x1x1xf32>
    %convert_element_type3A_69 = arith.sitofp %sub3A_32 : i32 to f32
    %mul3A_70 = arith.mulf %convert_element_type3A_69, %bitcast_convert_type3A_48 : f32
    %add3A_71 = arith.addf %reduce_sum3A_59, %mul3A_70 : f32
    %add3A_72 = arith.addf %add3A_71, %reduce_sum3A_68 : f32
    %ge3A_73 = arith.constant 2.500000e-01 : f32
    %ge3A_74 = vector.broadcast %ge3A_73 : f32 to vector<32x640xf32>
    %ge3A_75 = arith.cmpf oge, %get3A_1, %ge3A_74 : vector<32x640xf32>
    %and3A_76 = arith.andi %lt3A_7, %ge3A_75 : vector<32x640xi1>
    %add3A_77 = arith.addf %get3A_1, %get3A_4 : vector<32x640xf32>
    %jit3A_78 = arith.constant 0.000000e+00 : f32
    %broadcast_in_dim3A_79 = vector.broadcast %jit3A_78 : f32 to vector<32x640xf32>
    %select_n3A_80 = arith.select %and3A_76, %add3A_77, %broadcast_in_dim3A_79 : vector<32x640xi1>, vector<32x640xf32>
    %reduce_sum3A_81 = vector.shape_cast %select_n3A_80 : vector<32x640xf32> to vector<1x32x640xf32>
    %reduce_sum3A_82 = arith.constant dense<0.000000e+00> : vector<1xf32>
    %reduce_sum3A_83 = vector.multi_reduction <add>, %reduce_sum3A_81, %reduce_sum3A_82 [1, 2] : vector<1x32x640xf32> to vector<1xf32>
    %reduce_sum3A_84 = vector.shape_cast %reduce_sum3A_83 : vector<1xf32> to vector<1x1x1xf32>
    %reduce_sum3A_85 = vector.extract %reduce_sum3A_84[0, 0, 0] : f32 from vector<1x1x1xf32>
    %ge3A_86 = arith.constant 2.500000e-01 : f32
    %ge3A_87 = arith.cmpf oge, %bitcast_convert_type3A_48, %ge3A_86 : f32
    %select_n3A_88 = arith.select %ge3A_87, %add3A_72, %reduce_sum3A_85 : f32
    %swap3A = arith.constant 0 : index
    %swap3A_89 = arith.constant 0 : index
    %swap3A_90 = memref.load %arg2[%swap3A, %swap3A_89] : memref<1x1xf32, #tpu.memory_space<smem>>
    memref.store %select_n3A_88, %arg2[%swap3A, %swap3A_89] : memref<1x1xf32, #tpu.memory_space<smem>>
    return
  }
}

</mosaic_0001>

<sc_bundles>
// kernel: kernel.4.cloned.1.call-start
scs
__scs_entry_jumppad:
0x0: {  	(pc) =	sbr.rel $0x88, $3  }
0x1: {  	(tag) =	ssettag $0x0;
	lr =	simm.s32 $0x1  }
0x2: {  	[smem:$0x3FA0] =	sst lr;
	_ =	strace $0xD0000000  }
0x3: {  	_ = 	snop  }
0x4: {  	_ = 	snop  }
0x5: {  	_ = 	snop  }
0x6: {  	_ = 	snop  }
0x7: {  	_ = 	snop  }
__scs_overlays_trampoline_lowered:
0x8: {  	[smem:$0x3FAF] =	sst s0  }
0x9: {  	[smem:$0x3FB0] =	sst s1  }
0xa: {  	[smem:$0x3FB1] =	sst s2  }
0xb: {  	[smem:$0x3FB2] =	sst s3  }
0xc: {  	[smem:$0x3FB3] =	sst s4  }
0xd: {  	[smem:$0x3FB4] =	sst s5  }
0xe: {  	[smem:$0x3FB5] =	sst s6  }
0xf: {  	[smem:$0x3FB6] =	sst s7  }
0x10: {  	[smem:$0x3FB7] =	sst s8  }
0x11: {  	[smem:$0x3FB8] =	sst s9;
	s0 =	simm.s32 @!p0 $0x0  }
0x12: {  	s1 =	sld [smem:$0x3F9E];
	s0 =	simm.s32 @p0 $0x1  }
0x13: {  	[smem:$0x3FB9] =	sst s0;
	s0 =	simm.s32 @!p1 $0x0  }
0x14: {  	s2 =	sld [smem:$0x3F9D];
	s0 =	simm.s32 @p1 $0x1  }
0x15: {  	[smem:$0x3FBA] =	sst s0;
	s0 =	simm.s32 @!p2 $0x0  }
0x16: {  	s3 =	sld [smem:$0x3FDB];
	s0 =	simm.s32 @p2 $0x1  }
0x17: {  	s4 =	simm.s32 $0x1BF5;
	[smem:$0x3FBC] =	sst s0  }
0x18: {  	s0 =	sld [smem:$0x3F9F];
	_ =	swait.ge [sflag:s4], $0x0  }
0x19: {  	s7 =	sld [smem:$0x3FA0]  }
0x1a: {  	s8 =	sadd.s32 $0xFFFFE003, lr  }
0x1b: {  	s9 =	sadd.s32 $0xFFFFFEF7, lr;
	s5 =	simm.s32 $0xFFFFFFFF;
	p2 =	slt.u32 s8, $0xFFFFF086  }
0x1c: {  	p1 =	slt.u32 s9, $0xF7A;
	s5 =	simm.s32 @!p2 $0x0  }
0x1d: {  	s5 =	simm.s32 @p1 $0x1;
	p0 =	seq.s32 s7, s2  }
0x1e: {  	s7 =	smul.u32 @!p0 $0xF7A, s2;
	p2 =	seq.s32 @!p0 s5, $0x0  }
0x1f: {  	s9 =	smul.u32 $0xF7A, s1;
	s8 =	simm.s32 @!p0 $0x1BF5;
	p2 =	por !p2, p0  }
0x20: {  	[sflag:s8] =	ssyncset.s32 @!p0 $0xFFFFF086;
	s6 =	sadd.s32 @!p0 s3, s7;
	s7 =	simm.s32 @!p0 $0x108  }
0x21: {  	s3 =	sadd.s32 s3, s9;
	s6 =	sadd.s32 @!p0 $0x88, s6;
	s7 =	simm.s32 @p2 $0x1082  }
0x22: {  	[simem:s7], [sflag:s8] =	dma.local @!p0 [hbm:s6], $0xF7A  }
0x23: {  	s9 =	sor.u32 $0xD0000000, s2;
	s6 =	simm.s32 $0x108;
	_ =	swait.ge @!p0 [sflag:s8], $0x0  }
0x24: {  	s3 =	sadd.s32 $0x88, s3;
	s6 =	simm.s32 @!p1 $0x1082;
	[sflag:s4] =	ssyncset.s32 $0xFFFFF086  }
0x25: {  	[simem:s6], [sflag:s4] =	dma.local [hbm:s3], $0xF7A  }
0x26: {  	[smem:$0x3FA0] =	sst s1;
	(tag) =	ssettag s2;
	_ =	strace s9  }
0x27: {  	s1 =	sld [smem:$0x3FB0]  }
0x28: {  	s2 =	sld [smem:$0x3FB1]  }
0x29: {  	s4 =	sld [smem:$0x3FB3]  }
0x2a: {  	p0 =	seq.s32 s5, $0x0;
	s5 =	sld [smem:$0x3FB4]  }
0x2b: {  	s6 =	sld [smem:$0x3FB5]  }
0x2c: {  	s7 =	sld [smem:$0x3FB6]  }
0x2d: {  	s3 =	simm.s32 $0x108;
	s8 =	sld [smem:$0x3FB7]  }
0x2e: {  	s3 =	simm.s32 @!p0 $0x1082;
	s9 =	sld [smem:$0x3FB8]  }
0x2f: {  	lr =	sadd.s32 s0, s3;
	s0 =	sld [smem:$0x3FAF]  }
0x30: {  	s3 =	sld [smem:$0x3FB2]  }
0x31: {  	[smem:$0x3FBB] =	sst s10  }
0x32: {  	s10 =	sld [smem:$0x3FB9];
	_ =	sdelay $0x3  }
0x33: {  	p0 =	seq.s32 s10, $0x1;
	s10 =	sld [smem:$0x3FBB];
	_ =	sdelay $0x3  }
0x34: {  	[smem:$0x3FBB] =	sst s10  }
0x35: {  	s10 =	sld [smem:$0x3FBA];
	_ =	sdelay $0x3  }
0x36: {  	p1 =	seq.s32 s10, $0x1;
	s10 =	sld [smem:$0x3FBB];
	_ =	sdelay $0x3  }
0x37: {  	[smem:$0x3FBB] =	sst s10  }
0x38: {  	s10 =	sld [smem:$0x3FBC]  }
0x39: {  	_ = 	snop;
	(pc) =	sbr.ind lr, $3  }
0x3a: {  	_ = 	snop  }
0x3b: {  	_ = 	snop  }
0x3c: {  	p2 =	seq.s32 s10, $0x1;
	s10 =	sld [smem:$0x3FBB]  }
0x3d: {  	_ =	shalt  }
0x3e: {  	_ =	shalt  }
0x3f: {  	_ =	shalt  }
0x40: {  	_ =	shalt  }
0x41: {  	_ =	shalt  }
0x42: {  	_ =	shalt  }
0x43: {  	_ =	shalt  }
0x44: {  	_ =	shalt  }
0x45: {  	_ =	shalt  }
0x46: {  	_ =	shalt  }
0x47: {  	_ =	shalt  }
0x48: {  	_ =	shalt  }
0x49: {  	_ =	shalt  }
0x4a: {  	_ =	shalt  }
0x4b: {  	_ =	shalt  }
0x4c: {  	_ =	shalt  }
0x4d: {  	_ =	shalt  }
0x4e: {  	_ =	shalt  }
0x4f: {  	_ =	shalt  }
0x50: {  	_ =	shalt  }
0x51: {  	_ =	shalt  }
0x52: {  	_ =	shalt  }
0x53: {  	_ =	shalt  }
0x54: {  	_ =	shalt  }
0x55: {  	_ =	shalt  }
0x56: {  	_ =	shalt  }
0x57: {  	_ =	shalt  }
0x58: {  	_ =	shalt  }
0x59: {  	_ =	shalt  }
0x5a: {  	_ =	shalt  }
0x5b: {  	_ =	shalt  }
0x5c: {  	_ =	shalt  }
0x5d: {  	_ =	shalt  }
0x5e: {  	_ =	shalt  }
0x5f: {  	_ =	shalt  }
0x60: {  	_ =	shalt  }
0x61: {  	_ =	shalt  }
0x62: {  	_ =	shalt  }
0x63: {  	_ =	shalt  }
0x64: {  	_ =	shalt  }
0x65: {  	_ =	shalt  }
0x66: {  	_ =	shalt  }
0x67: {  	_ =	shalt  }
0x68: {  	_ =	shalt  }
0x69: {  	_ =	shalt  }
0x6a: {  	_ =	shalt  }
0x6b: {  	_ =	shalt  }
0x6c: {  	_ =	shalt  }
0x6d: {  	_ =	shalt  }
0x6e: {  	_ =	shalt  }
0x6f: {  	_ =	shalt  }
0x70: {  	_ =	shalt  }
0x71: {  	_ =	shalt  }
0x72: {  	_ =	shalt  }
0x73: {  	_ =	shalt  }
0x74: {  	_ =	shalt  }
0x75: {  	_ =	shalt  }
0x76: {  	_ =	shalt  }
0x77: {  	_ =	shalt  }
0x78: {  	_ =	shalt  }
0x79: {  	_ =	shalt  }
0x7a: {  	_ =	shalt  }
0x7b: {  	_ =	shalt  }
0x7c: {  	_ =	shalt  }
0x7d: {  	_ =	shalt  }
0x7e: {  	_ =	shalt  }
0x7f: {  	_ =	shalt  }
0x80: {  	_ =	shalt  }
0x81: {  	_ =	shalt  }
0x82: {  	_ =	shalt  }
0x83: {  	_ =	shalt  }
0x84: {  	_ =	shalt  }
0x85: {  	_ =	shalt  }
0x86: {  	_ =	shalt  }
0x87: {  	_ =	shalt  }
.Lfunc_end0:
.L_simem_size_0:
called_computation_lowered:
.L_overlay_start_0:
0x88: {  	s2 =	sld [smem:$0x3FD9]  }
0x89: {  	s3 =	sld [smem:$0x3FFE];
	_ =	sdelay $0x1  }
0x8a: {  	s1 =	srdreg.scid  }
0x8b: {  	s0 =	sand.u32 $0x1, s1  }
0x8c: {  	s16 =	sshll.u32 s0, $0xA;
	s2 =	sadd.s32 s3, s2  }
0x8d: {  	s2 =	sadd.s32 s2, s16  }
0x8e: {  	[smem:$0x3FC7] =	sst s2  }
0x8f: {  	_ = 	snop  }
0x90: {  	(tm) =	ssettm $0x1  }
0x91: {  	s17 =	sld [smem:$0x3FFB];
	_ =	sdelay $0x3  }
0x92: {  	_ =	strace s17  }
0x93: {  	s2 =	sld [smem:$0x3FFC];
	_ =	sdelay $0x3  }
0x94: {  	_ =	strace s2  }
0x95: {  	s2 =	sld [smem:$0x3FFD];
	_ =	sdelay $0x3  }
0x96: {  	_ =	strace s2  }
0x97: {  	_ =	strace $0x8FFFFFFF  }
0x98: {  	s18 =	sld [smem:$0x3FDB];
	_ =	sdelay $0x1  }
0x99: {  	s19 =	simm.s32 $_scs_section_size  }
0x9a: {  	s4 =	simm.s32 $_size__tile_overlayer_lowered;
	s5 =	simm.s32 $_tile_overlayer_lowered  }
0x9b: {  	s22 =	simm.s32 $0x1BFF;
	s21 =	sshll.u32 s5, $0x1;
	s2 =	sadd.s32 s19, s18  }
0x9c: {  	s6 =	simm.s32 $0x0;
	s20 =	sshll.u32 s4, $0x1;
	s4 =	sadd.s32 s21, s2  }
0x9d: {  	[timem:s6], [sflag:s22] =	dma.local [hbm:s4], s20  }
0x9e: {  	_ =	swait.ge [sflag:s22], s20  }
0x9f: {  	s3 =	ssub.s32 $0x0, s20;
	[sflag:s22] =	ssyncset.done $0x0  }
0xa0: {  	[sflag:s22] =	ssyncadd.s32 s3;
	_ =	sdelay $0x1  }
0xa1: {  	s23 =	simm.s32 $0x1B8B  }
0xa2: {  	_ =	swait.ge [sflag:s23], $0x1  }
0xa3: {  	[sflag:s23] =	ssyncset.done $0x0  }
0xa4: {  	s25 =	simm.s32 $0x1B8E;
	s24 =	sld [smem:$0x3FFE];
	[sflag:s23] =	ssyncadd.s32 $0xFFFFFFFF  }
0xa5: {  	s26 =	simm.s32 $execute0_lowered;
	[smem:$0x3FD2] =	sst s25  }
0xa6: {  	s4 =	sshll.u32 s26, $0x1;
	_ =	strace $0x80000046;
	[dreg:$0x1] =	wrdreg $0xFFFFFFFF  }
0xa7: {  	s28 =	simm.s32 $_size_execute0_lowered;
	s2 =	sadd.s32 s2, s4;
	[dreg:$0x0] =	wrdreg $0x0  }
0xa8: {  	s4 =	sshll.u32 s28, $0x1;
	[dreg:$0x2] =	wrdreg s2  }
0xa9: {  	[dreg:$0x3] =	wrdreg s4  }
0xaa: {  	[dreg:$0x4] =	wrdreg $0xC0  }
0xab: {  	_ =	task [dreg:s6], $0x5FFFF  }
0xac: {  	[dreg:$0x1] =	wrdreg $0xFFFFFFFF  }
0xad: {  	[dreg:$0x0] =	wrdreg $0x60  }
0xae: {  	[dreg:$0x2] =	wrdreg s24  }
0xaf: {  	[dreg:$0x3] =	wrdreg $0x9  }
0xb0: {  	_ =	task.clear_ibuf [dreg:s6], $0x4FFFF;
	_ =	strace $0x90000046  }
0xb1: {  	s29 =	simm.s32 $0x9;
	_ =	strace $0x80000048  }
0xb2: {  	_ =	swait.ge [sflag:s29], $0x1  }
0xb3: {  	[sflag:s29] =	ssyncadd.s32 $0xFFFFFFFF  }
0xb4: {  	_ =	strace $0x90000048  }
0xb5: {  	_ =	sfence  }
0xb6: {  	s30 =	sld [smem:$0x0];
	_ =	sdelay $0x2  }
0xb7: {  	s31 =	sshll.u32 s1, $0xD;
	s1 =	sshrl.u32 s1, $0x2  }
0xb8: {  	s3 =	sand.u32 $0x4000, s31;
	s1 =	sadd.s32 s1, s30  }
0xb9: {  	s0 =	sor.u32 s3, s0;
	s1 =	sshll.u32 s1, $0x11  }
0xba: {  	s0 =	sor.u32 s1, s0  }
0xbb: {  	s0 =	sadd.s32 $0x8F2B, s0  }
0xbc: {  	[sflag:s0] =	ssyncadd.remote.s32 $0x1  }
0xbd: {  	_ =	sfence.sel $0xFFFF  }
0xbe: {  	[dreg:$0x0] =	wrdreg $0xFFFFFFFF;
	(pc) =	sbr.abs _section_cstart, $3  }
0xbf: {  	[dreg:$0x1] =	wrdreg $0xFFFFFFFF  }
0xc0: {  	_ =	task.clear_ibuf [dreg:s6], $0x2FFFF;
	_ =	strace $0x9FFFFFFF  }
0xc1: {  	(tm) =	ssettm $0x7FFFFFFF  }
tec
execute0_lowered:
.L_overlay_start_1:
0x0: {  	(tag) =	ssettag $0x1  }
0x1: {  	s1 =	srdreg.scid  }
0x2: {  	s0 =	stileid.u32;
	s3 =	rddreg [dreg:$0x0];
	s9 =	simm.s32 $0x400  }
0x3: {  	s11 =	simm.s32 $0xD000;
	s12 =	simm.s32 $0x0;
	s4 =	sand.u32 $0x1, s1  }
0x4: {  	s2 =	sshll.u32 s0, $0x1;
	s1 =	rddreg [dreg:$0x1];
	s6 =	sshrl.u32 s0, $0x2  }
0x5: {  	s5 =	sor.u32 s4, s2;
	s2 =	simm.s32 $0x0;
	s6 =	smul.u32 $0x1400, s6  }
0x6: {  	s4 =	ssub.s32 $0x2, s4;
	s7 =	sshll.u32 s5, $0x7;
	[smem:$0x7FF] =	sst s2  }
0x7: {  	s5 =	smul.u32 $0xCD14, s5;
	s31 =	sshrl.u32 s4, $0x1;
	s7 =	sand.u32 $0x380, s7  }
0x8: {  	_ =	strace $0x80000047;
	s8 =	ssub.s32 s4, s31;
	s6 =	sor.u32 s6, s7  }
0x9: {  	s30 =	sshrl.u32 s5, $0x3;
	s10 =	sand.u32 $0x4, s5;
	s6 =	sshrl.u32 s6, $0x3  }
0xa: {  	s7 =	sadd.s32 s30, s3;
	v62 =	vmov s10;
	s10 =	simm.s32 $0xCD80;
	s6 =	sadd.s32 s6, s3  }
0xb: {  	s3 =	sadd.s32 $0xC00, s7;
	s7 =	simm.s32 $0x1;
	s4 =	sadd.s32 $0x34200, s6  }
0xc: {  	v63 =	vlaneseq.u32;
	s5 =	sadd.s32 $0x34C00, s6;
	s6 =	smax.u32 s8, $0x1;
	s8 =	simm.s32 $0x80  }
.LBB2_1:
0xd: {  	v3 =	vor.u32 s2, v63  }
0xe: {  	vm0 =	vlt.s32 v3, $0x270  }
0xf: {  	v2 =	vnsel vm0, $0x270, v3  }
0x10: {  	v2 =	vmul.u32 $0x54, v2;
	_ =	sdelay $0x1  }
0x11: {  	v14 =	vadd.s32 v62, v2  }
0x12: {  	[tilespmem:s2], [sflag:$0x1] =	stream.linear.gather [hbm4b:s3+s2], $0xCD18, $0x38;
	v2 =	vor.u32 $0x2, v14;
	[tilespmem:$0xD280] =	vst v63  }
0x13: {  	_ =	swait.ge [sflag:s7], $0xCD18;
	v4 =	vadd.s32 $0x50, v14  }
0x14: {  	[sflag:s7] =	ssyncset.done $0x0;
	v5 =	vadd.s32 $0x51, v14  }
0x15: {  	[sflag:s7] =	ssyncadd.s32 $0xFFFF32E8;
	v6 =	vadd.s32 $0x52, v14  }
0x16: {  	v7 =	vor.u32 $0x1, v14;
	v28 =	vld.idx.msk [tilespmem:v14+s2+$0x0], $0xffff  }
0x17: {  	v56 =	vadd.s32 $0x4C, v14;
	v21 =	vld.idx.msk [tilespmem:v2+s2+$0x0], $0xffff  }
0x18: {  	v8 =	vadd.s32 $0x4D, v14;
	v24 =	vld.idx.msk [tilespmem:v4+s2+$0x0], $0xffff  }
0x19: {  	v9 =	vadd.s32 $0x4E, v14;
	v4 =	vld.idx.msk [tilespmem:v5+s2+$0x0], $0xffff  }
0x1a: {  	v10 =	vadd.s32 $0x48, v14;
	v5 =	vld.idx.msk [tilespmem:v6+s2+$0x0], $0xffff  }
0x1b: {  	v11 =	vadd.s32 $0x49, v14;
	v27 =	vld.idx.msk [tilespmem:v7+s2+$0x0], $0xffff  }
0x1c: {  	v12 =	vadd.s32 $0x4A, v14;
	v29 =	vld.idx.msk [tilespmem:v56+s2+$0x0], $0xffff  }
0x1d: {  	v57 =	vadd.s32 $0x44, v14;
	v6 =	vld.idx.msk [tilespmem:v8+s2+$0x0], $0xffff  }
0x1e: {  	v13 =	vadd.s32 $0x45, v14;
	v7 =	vld.idx.msk [tilespmem:v9+s2+$0x0], $0xffff  }
0x1f: {  	v15 =	vadd.s32 $0x46, v14;
	v32 =	vld.idx.msk [tilespmem:v10+s2+$0x0], $0xffff  }
0x20: {  	v16 =	vadd.s32 $0x40, v14;
	v8 =	vld.idx.msk [tilespmem:v11+s2+$0x0], $0xffff  }
0x21: {  	v17 =	vadd.s32 $0x41, v14;
	v9 =	vld.idx.msk [tilespmem:v12+s2+$0x0], $0xffff  }
0x22: {  	v18 =	vadd.s32 $0x42, v14;
	v33 =	vld.idx.msk [tilespmem:v57+s2+$0x0], $0xffff  }
0x23: {  	v58 =	vadd.s32 $0x3C, v14;
	v10 =	vld.idx.msk [tilespmem:v13+s2+$0x0], $0xffff  }
0x24: {  	v19 =	vadd.s32 $0x3D, v14;
	v11 =	vld.idx.msk [tilespmem:v15+s2+$0x0], $0xffff  }
0x25: {  	v20 =	vadd.s32 $0x3E, v14;
	v34 =	vld.idx.msk [tilespmem:v16+s2+$0x0], $0xffff  }
0x26: {  	v22 =	vadd.s32 $0x38, v14;
	v12 =	vld.idx.msk [tilespmem:v17+s2+$0x0], $0xffff  }
0x27: {  	v59 =	vadd.s32 $0x34, v14;
	v13 =	vld.idx.msk [tilespmem:v18+s2+$0x0], $0xffff  }
0x28: {  	v60 =	vadd.s32 $0x2C, v14;
	v35 =	vld.idx.msk [tilespmem:v58+s2+$0x0], $0xffff  }
0x29: {  	v31 =	vadd.s32 $0x28, v14;
	v15 =	vld.idx.msk [tilespmem:v19+s2+$0x0], $0xffff  }
0x2a: {  	v40 =	vadd.s32 $0x2A, v14;
	v16 =	vld.idx.msk [tilespmem:v20+s2+$0x0], $0xffff  }
0x2b: {  	v41 =	vadd.s32 $0x24, v14;
	v36 =	vld.idx.msk [tilespmem:v22+s2+$0x0], $0xffff  }
0x2c: {  	v42 =	vadd.s32 $0x25, v14;
	v37 =	vld.idx.msk [tilespmem:v59+s2+$0x0], $0xffff  }
0x2d: {  	v43 =	vadd.s32 $0x26, v14;
	v2 =	vld.idx.msk [tilespmem:v60+s2+$0x0], $0xffff  }
0x2e: {  	v45 =	vadd.s32 $0x20, v14;
	v44 =	vld.idx.msk [tilespmem:v31+s2+$0x0], $0xffff  }
0x2f: {  	v0 =	vadd.s32 $0x4, v14;
	v31 =	vld.idx.msk [tilespmem:v40+s2+$0x0], $0xffff  }
0x30: {  	v46 =	vadd.s32 $0xC, v14;
	v40 =	vld.idx.msk [tilespmem:v41+s2+$0x0], $0xffff  }
0x31: {  	v47 =	vadd.s32 $0x10, v14;
	v42 =	vld.idx.msk [tilespmem:v42+s2+$0x0], $0xffff  }
0x32: {  	v48 =	vadd.s32 $0x14, v14;
	v43 =	vld.idx.msk [tilespmem:v43+s2+$0x0], $0xffff  }
0x33: {  	v49 =	vadd.s32 $0x18, v14;
	v45 =	vld.idx.msk [tilespmem:v45+s2+$0x0], $0xffff  }
0x34: {  	v22 =	vadd.s32 $0x30, v14;
	v41 =	vld.idx.msk [tilespmem:v0+s2+$0x0], $0xffff  }
0x35: {  	v23 =	vadd.s32 $0x31, v14;
	v46 =	vld.idx.msk [tilespmem:v46+s2+$0x0], $0xffff  }
0x36: {  	v25 =	vadd.s32 $0x32, v14;
	v47 =	vld.idx.msk [tilespmem:v47+s2+$0x0], $0xffff  }
0x37: {  	v26 =	vadd.s32 $0x2D, v14;
	v48 =	vld.idx.msk [tilespmem:v48+s2+$0x0], $0xffff  }
0x38: {  	v30 =	vadd.s32 $0x2E, v14;
	v49 =	vld.idx.msk [tilespmem:v49+s2+$0x0], $0xffff  }
0x39: {  	v39 =	vadd.s32 $0x29, v14;
	v38 =	vld.idx.msk [tilespmem:v22+s2+$0x0], $0xffff  }
0x3a: {  	v61 =	vadd.s32 $0x8, v14;
	v22 =	vld.idx.msk [tilespmem:v23+s2+$0x0], $0xffff  }
0x3b: {  	v50 =	vadd.s32 $0x1C, v14;
	v23 =	vld.idx.msk [tilespmem:v25+s2+$0x0], $0xffff  }
0x3c: {  	v17 =	vadd.s32 $0x39, v14;
	v25 =	vld.idx.msk [tilespmem:v26+s2+$0x0], $0xffff  }
0x3d: {  	v18 =	vadd.s32 $0x3A, v14;
	v26 =	vld.idx.msk [tilespmem:v30+s2+$0x0], $0xffff  }
0x3e: {  	v19 =	vadd.s32 $0x35, v14;
	v30 =	vld.idx.msk [tilespmem:v39+s2+$0x0], $0xffff  }
0x3f: {  	v56 =	vadd.s32 $0x7, v14;
	v39 =	vld.idx.msk [tilespmem:v61+s2+$0x0], $0xffff  }
0x40: {  	v51 =	vadd.s32 $0x21, v14;
	v50 =	vld.idx.msk [tilespmem:v50+s2+$0x0], $0xffff  }
0x41: {  	v17 =	vld.idx.msk [tilespmem:v17+s2+$0x0], $0xffff;
	v61 =	vadd.s32 $0x9, v14  }
0x42: {  	v52 =	vadd.s32 $0x22, v14;
	v18 =	vld.idx.msk [tilespmem:v18+s2+$0x0], $0xffff  }
0x43: {  	v53 =	vadd.s32 $0x1D, v14;
	v19 =	vld.idx.msk [tilespmem:v19+s2+$0x0], $0xffff  }
0x44: {  	v54 =	vadd.s32 $0x1E, v14;
	v56 =	vld.idx.msk [tilespmem:v56+s2+$0x0], $0xffff;
	v39 =	vmax.f32 v41, v39  }
0x45: {  	v59 =	vadd.s32 $0xD, v14;
	v41 =	vld.idx.msk [tilespmem:v51+s2+$0x0], $0xffff;
	v39 =	vmax.f32 v39, v46  }
0x46: {  	s13 =	simm.s32 $0x10;
	v55 =	vadd.s32 $0x19, v14;
	v51 =	vld.idx.msk [tilespmem:v61+s2+$0x0], $0xffff;
	v39 =	vmax.f32 v39, v47  }
0x47: {  	v60 =	vadd.s32 $0x5, v14;
	v0 =	vor.u32 s13, v63;
	v46 =	vld.idx.msk [tilespmem:v52+s2+$0x0], $0xffff;
	v39 =	vmax.f32 v39, v48  }
0x48: {  	v1 =	vadd.s32 $0x1A, v14;
	vm14 =	vlt.s32 v0, $0x270;
	v47 =	vld.idx.msk [tilespmem:v53+s2+$0x0], $0xffff;
	v39 =	vmax.f32 v39, v49  }
0x49: {  	[tilespmem:$0x1FFA0] =	vst v0;
	v61 =	vnsel vm14, $0x270, v0;
	v0 =	vadd.s32 $0x12, v14;
	v48 =	vld.idx.msk [tilespmem:v54+s2+$0x0], $0xffff;
	v39 =	vmax.f32 v39, v50  }
0x4a: {  	v57 =	vadd.s32 $0x15, v14;
	v54 =	vld.idx.msk [tilespmem:v59+s2+$0x0], $0xffff;
	v39 =	vmax.f32 v39, v45  }
0x4b: {  	v58 =	vadd.s32 $0x16, v14;
	v49 =	vld.idx.msk [tilespmem:v55+s2+$0x0], $0xffff;
	v39 =	vmax.f32 v39, v40  }
0x4c: {  	v27 =	vadd.f32 v27, v28;
	v52 =	vadd.s32 $0x6, v14;
	v55 =	vld.idx.msk [tilespmem:v60+s2+$0x0], $0xffff;
	v39 =	vmax.f32 v39, v44  }
0x4d: {  	v53 =	vadd.s32 $0xA, v14;
	v50 =	vld.idx.msk [tilespmem:v1+s2+$0x0], $0xffff;
	v39 =	vmax.f32 v39, v2  }
0x4e: {  	v21 =	vadd.f32 v21, v27;
	v60 =	vadd.s32 $0xE, v14;
	v27 =	vld.idx.msk [tilespmem:v0+s2+$0x0], $0xffff;
	v38 =	vmax.f32 v39, v38  }
0x4f: {  	v45 =	vld.idx.msk [tilespmem:v57+s2+$0x0], $0xffff;
	v57 =	vadd.s32 $0xB, v14;
	v37 =	vmax.f32 v38, v37  }
0x50: {  	v40 =	vld.idx.msk [tilespmem:v58+s2+$0x0], $0xffff;
	v58 =	vadd.s32 $0xF, v14;
	v36 =	vmax.f32 v37, v36  }
0x51: {  	v52 =	vld.idx.msk [tilespmem:v52+s2+$0x0], $0xffff;
	v44 =	vadd.s32 $0x11, v14;
	v35 =	vmax.f32 v36, v35  }
0x52: {  	v20 =	vadd.s32 $0x36, v14;
	v28 =	vadd.s32 $0x4B, v14;
	v53 =	vld.idx.msk [tilespmem:v53+s2+$0x0], $0xffff;
	v34 =	vmax.f32 v35, v34  }
0x53: {  	v59 =	vadd.s32 $0x53, v14;
	v1 =	vadd.s32 $0x13, v14;
	v39 =	vld.idx.msk [tilespmem:v60+s2+$0x0], $0xffff;
	v33 =	vmax.f32 v34, v33  }
0x54: {  	v0 =	vadd.s32 $0x27, v14;
	v2 =	vadd.s32 $0x17, v14;
	v57 =	vld.idx.msk [tilespmem:v57+s2+$0x0], $0xffff;
	v32 =	vmax.f32 v33, v32  }
0x55: {  	v51 =	vmax.f32 v55, v51;
	v60 =	vadd.s32 $0x1B, v14;
	v58 =	vld.idx.msk [tilespmem:v58+s2+$0x0], $0xffff;
	v29 =	vmax.f32 v32, v29  }
0x56: {  	v51 =	vmax.f32 v51, v54;
	v44 =	vld.idx.msk [tilespmem:v44+s2+$0x0], $0xffff;
	v24 =	vmax.f32 v29, v24;
	v29 =	vadd.s32 $0x1F, v14  }
0x57: {  	v20 =	vld.idx.msk [tilespmem:v20+s2+$0x0], $0xffff;
	v38 =	vmul.u32 $0x54, v61;
	v61 =	vadd.s32 $0x23, v14;
	v37 =	vadd.s32 $0x47, v14  }
0x58: {  	v52 =	vmax.f32 v52, v53;
	v36 =	vor.u32 $0x3, v14;
	v35 =	vld.idx.msk [tilespmem:v1+s2+$0x0], $0xffff;
	v1 =	vadd.s32 $0x2B, v14  }
0x59: {  	v34 =	vadd.s32 $0x4F, v14;
	v39 =	vmax.f32 v52, v39;
	v56 =	vmax.f32 v56, v57;
	v33 =	vld.idx.msk [tilespmem:v2+s2+$0x0], $0xffff  }
0x5a: {  	v57 =	vadd.s32 $0x43, v14;
	v2 =	vadd.s32 $0x2F, v14;
	v27 =	vmax.f32 v39, v27;
	v32 =	vld.idx.msk [tilespmem:v60+s2+$0x0], $0xffff  }
0x5b: {  	v56 =	vmax.f32 v56, v58;
	v44 =	vmax.f32 v51, v44;
	v51 =	vadd.s32 $0x33, v14;
	v29 =	vld.idx.msk [tilespmem:v29+s2+$0x0], $0xffff  }
0x5c: {  	v55 =	vld.idx.msk [tilespmem:v61+s2+$0x0], $0xffff;
	v58 =	vadd.s32 $0x3F, v14;
	v60 =	vadd.s32 $0x3B, v14;
	v14 =	vadd.s32 $0x37, v14  }
0x5d: {  	vm15 =	vlt.u32 v3, $0x271;
	v53 =	vld.idx.msk [tilespmem:v0+s2+$0x0], $0xffff;
	v27 =	vmax.f32 v27, v40;
	v35 =	vmax.f32 v56, v35  }
0x5e: {  	v27 =	vmax.f32 v27, v50;
	v44 =	vmax.f32 v44, v45;
	v61 =	vld.idx.msk [tilespmem:v1+s2+$0x0], $0xffff;
	v33 =	vmax.f32 v35, v33  }
0x5f: {  	v27 =	vmax.f32 v27, v48;
	v0 =	vmax.f32 v44, v49;
	v1 =	vld.idx.msk [tilespmem:v2+s2+$0x0], $0xffff;
	v32 =	vmax.f32 v33, v32  }
0x60: {  	v27 =	vmax.f32 v27, v46;
	v2 =	vmax.f32 v0, v47;
	v45 =	vld.idx.msk [tilespmem:v51+s2+$0x0], $0xffff;
	v29 =	vmax.f32 v32, v29  }
0x61: {  	v27 =	vmax.f32 v27, v43;
	v47 =	vmax.f32 v2, v41;
	v14 =	vld.idx.msk [tilespmem:v14+s2+$0x0], $0xffff;
	v29 =	vmax.f32 v29, v55  }
0x62: {  	v48 =	vld.idx.msk [tilespmem:v60+s2+$0x0], $0xffff;
	v27 =	vmax.f32 v27, v31;
	v32 =	vmax.f32 v47, v42;
	v29 =	vmax.f32 v29, v53  }
0x63: {  	v31 =	vld.idx.msk [tilespmem:v58+s2+$0x0], $0xffff;
	v26 =	vmax.f32 v27, v26;
	v30 =	vmax.f32 v32, v30;
	v29 =	vmax.f32 v29, v61  }
0x64: {  	v27 =	vld.idx.msk [tilespmem:v57+s2+$0x0], $0xffff;
	v23 =	vmax.f32 v26, v23;
	v25 =	vmax.f32 v30, v25;
	v29 =	vmax.f32 v29, v1  }
0x65: {  	v20 =	vmax.f32 v23, v20;
	v22 =	vmax.f32 v25, v22;
	v25 =	vld.idx.msk [tilespmem:v37+s2+$0x0], $0xffff;
	v26 =	vmax.f32 v29, v45  }
0x66: {  	v18 =	vmax.f32 v20, v18;
	v19 =	vmax.f32 v22, v19;
	v22 =	vld.idx.msk [tilespmem:v28+s2+$0x0], $0xffff;
	v14 =	vmax.f32 v26, v14  }
0x67: {  	v16 =	vmax.f32 v18, v16;
	v17 =	vmax.f32 v19, v17;
	v19 =	vld.idx.msk [tilespmem:v34+s2+$0x0], $0xffff;
	v14 =	vmax.f32 v14, v48  }
0x68: {  	v13 =	vmax.f32 v16, v13;
	v15 =	vmax.f32 v17, v15;
	v17 =	vld.idx.msk [tilespmem:v59+s2+$0x0], $0xffff;
	v14 =	vmax.f32 v14, v31  }
0x69: {  	v11 =	vmax.f32 v13, v11;
	v12 =	vmax.f32 v15, v12;
	v14 =	vmax.f32 v14, v27  }
0x6a: {  	v9 =	vmax.f32 v11, v9;
	v10 =	vmax.f32 v12, v10;
	v12 =	vld.idx.msk [tilespmem:v36+s2+$0x0], $0xffff;
	v13 =	vmax.f32 v14, v25  }
0x6b: {  	v7 =	vmax.f32 v9, v7;
	v8 =	vmax.f32 v10, v8;
	v10 =	vmax.f32 v13, v22  }
0x6c: {  	v9 =	vadd.s32 v62, v38;
	v6 =	vmax.f32 v8, v6;
	v8 =	vmax.f32 v10, v19  }
0x6d: {  	v5 =	vmax.f32 v7, v5;
	v4 =	vmax.f32 v6, v4;
	v6 =	vmax.f32 v8, v17  }
0x6e: {  	v49 =	vmax.f32 v24, v4;
	v4 =	vmax.f32 v5, v6;
	v5 =	vor.u32 $0x2, v9  }
0x6f: {  	v6 =	vadd.s32 $0x50, v9;
	v3 =	vmax.f32 v49, v4;
	v4 =	vadd.f32 v12, v21  }
0x70: {  	v7 =	vadd.s32 $0x51, v9;
	v3 =	vnsel vm15, $0xFF800000, v3  }
0x71: {  	v8 =	vor.u32 $0x1, v9;
	[tilespmem:s10+$0x0] =	vst v3;
	v50 =	vnsel vm15, $0x0, v4  }
0x72: {  	[tilespmem:s11+$0x0] =	vst v50  }
0x73: {  	v10 =	vadd.s32 $0x48, v9;
	v18 =	vld.idx.msk [tilespmem:v5+s2+$0x0], $0xffff  }
0x74: {  	v11 =	vadd.s32 $0x4A, v9;
	v20 =	vld.idx.msk [tilespmem:v6+s2+$0x0], $0xffff  }
0x75: {  	v13 =	vadd.s32 $0x45, v9;
	v51 =	vld.idx.msk [tilespmem:v7+s2+$0x0], $0xffff  }
0x76: {  	v14 =	vadd.s32 $0x46, v9;
	v24 =	vld.idx.msk [tilespmem:v8+s2+$0x0], $0xffff  }
0x77: {  	v15 =	vadd.s32 $0x40, v9;
	v26 =	vld.idx.msk [tilespmem:v9+s2+$0x0], $0xffff  }
0x78: {  	v16 =	vadd.s32 $0x41, v9;
	v29 =	vld.idx.msk [tilespmem:v10+s2+$0x0], $0xffff  }
0x79: {  	v17 =	vadd.s32 $0x42, v9;
	v10 =	vld.idx.msk [tilespmem:v11+s2+$0x0], $0xffff  }
0x7a: {  	v19 =	vadd.s32 $0x3C, v9;
	v11 =	vld.idx.msk [tilespmem:v13+s2+$0x0], $0xffff  }
0x7b: {  	v22 =	vadd.s32 $0x3E, v9;
	v13 =	vld.idx.msk [tilespmem:v14+s2+$0x0], $0xffff  }
0x7c: {  	v23 =	vadd.s32 $0x38, v9;
	v33 =	vld.idx.msk [tilespmem:v15+s2+$0x0], $0xffff  }
0x7d: {  	v30 =	vadd.s32 $0x2C, v9;
	v14 =	vld.idx.msk [tilespmem:v16+s2+$0x0], $0xffff  }
0x7e: {  	v59 =	vadd.s32 $0x29, v9;
	v15 =	vld.idx.msk [tilespmem:v17+s2+$0x0], $0xffff  }
0x7f: {  	v38 =	vadd.s32 $0x2A, v9;
	v36 =	vld.idx.msk [tilespmem:v19+s2+$0x0], $0xffff  }
0x80: {  	v61 =	vadd.s32 $0x25, v9;
	v55 =	vld.idx.msk [tilespmem:v22+s2+$0x0], $0xffff  }
0x81: {  	v0 =	vadd.s32 $0x26, v9;
	v39 =	vld.idx.msk [tilespmem:v23+s2+$0x0], $0xffff  }
0x82: {  	v1 =	vadd.s32 $0x20, v9;
	v46 =	vld.idx.msk [tilespmem:v30+s2+$0x0], $0xffff  }
0x83: {  	v2 =	vadd.s32 $0x21, v9;
	v30 =	vld.idx.msk [tilespmem:v59+s2+$0x0], $0xffff  }
0x84: {  	v12 =	vadd.s32 $0x44, v9;
	v32 =	vld.idx.msk [tilespmem:v38+s2+$0x0], $0xffff  }
0x85: {  	v21 =	vadd.s32 $0x3D, v9;
	v34 =	vld.idx.msk [tilespmem:v61+s2+$0x0], $0xffff  }
0x86: {  	v4 =	vadd.s32 $0x52, v9;
	v35 =	vld.idx.msk [tilespmem:v0+s2+$0x0], $0xffff  }
0x87: {  	v3 =	vadd.s32 $0x22, v9;
	v50 =	vld.idx.msk [tilespmem:v1+s2+$0x0], $0xffff  }
0x88: {  	v5 =	vadd.s32 $0x4C, v9;
	v37 =	vld.idx.msk [tilespmem:v2+s2+$0x0], $0xffff  }
0x89: {  	v6 =	vadd.s32 $0x4D, v9;
	v31 =	vld.idx.msk [tilespmem:v12+s2+$0x0], $0xffff  }
0x8a: {  	v7 =	vadd.s32 $0x4E, v9;
	v54 =	vld.idx.msk [tilespmem:v21+s2+$0x0], $0xffff  }
0x8b: {  	v8 =	vadd.s32 $0x49, v9;
	v52 =	vld.idx.msk [tilespmem:v4+s2+$0x0], $0xffff  }
0x8c: {  	v16 =	vadd.s32 $0x39, v9;
	v38 =	vld.idx.msk [tilespmem:v3+s2+$0x0], $0xffff  }
0x8d: {  	v17 =	vadd.s32 $0x3A, v9;
	v25 =	vld.idx.msk [tilespmem:v5+s2+$0x0], $0xffff  }
0x8e: {  	v19 =	vadd.s32 $0x34, v9;
	v53 =	vld.idx.msk [tilespmem:v6+s2+$0x0], $0xffff  }
0x8f: {  	v23 =	vadd.s32 $0x30, v9;
	v7 =	vld.idx.msk [tilespmem:v7+s2+$0x0], $0xffff  }
0x90: {  	v28 =	vadd.s32 $0x32, v9;
	v8 =	vld.idx.msk [tilespmem:v8+s2+$0x0], $0xffff  }
0x91: {  	v57 =	vadd.s32 $0x2E, v9;
	v12 =	vld.idx.msk [tilespmem:v16+s2+$0x0], $0xffff  }
0x92: {  	v58 =	vadd.s32 $0x28, v9;
	v17 =	vld.idx.msk [tilespmem:v17+s2+$0x0], $0xffff  }
0x93: {  	v59 =	vadd.s32 $0xC, v9;
	v41 =	vld.idx.msk [tilespmem:v19+s2+$0x0], $0xffff  }
0x94: {  	v61 =	vadd.s32 $0x14, v9;
	v43 =	vld.idx.msk [tilespmem:v23+s2+$0x0], $0xffff  }
0x95: {  	v21 =	vadd.s32 $0x35, v9;
	v23 =	vld.idx.msk [tilespmem:v28+s2+$0x0], $0xffff  }
0x96: {  	v22 =	vadd.s32 $0x36, v9;
	v28 =	vld.idx.msk [tilespmem:v57+s2+$0x0], $0xffff  }
0x97: {  	v27 =	vadd.s32 $0x31, v9;
	[tilespmem:$0x1FFB0] =	vst v51;
	v51 =	vld.idx.msk [tilespmem:v58+s2+$0x0], $0xffff  }
0x98: {  	v56 =	vadd.s32 $0x2D, v9;
	v47 =	vld.idx.msk [tilespmem:v59+s2+$0x0], $0xffff  }
0x99: {  	v60 =	vadd.s32 $0x24, v9;
	v49 =	vld.idx.msk [tilespmem:v61+s2+$0x0], $0xffff  }
0x9a: {  	[tilespmem:$0x1FFF0] =	vst v55;
	v55 =	vadd.s32 $0x1C, v9;
	v19 =	vld.idx.msk [tilespmem:v21+s2+$0x0], $0xffff  }
0x9b: {  	v57 =	vadd.s32 $0x8, v9;
	v21 =	vld.idx.msk [tilespmem:v22+s2+$0x0], $0xffff  }
0x9c: {  	v58 =	vadd.s32 $0x4, v9;
	v22 =	vld.idx.msk [tilespmem:v27+s2+$0x0], $0xffff  }
0x9d: {  	v27 =	vld.idx.msk [tilespmem:v56+s2+$0x0], $0xffff;
	v56 =	vadd.s32 $0x1D, v9  }
0x9e: {  	[tilespmem:$0x1FFC0] =	vst v52;
	v52 =	vld.idx.msk [tilespmem:v60+s2+$0x0], $0xffff;
	v60 =	vadd.s32 $0x10, v9  }
0x9f: {  	v42 =	vadd.s32 $0x18, v9;
	[tilespmem:$0x1FFD0] =	vst v53;
	v53 =	vld.idx.msk [tilespmem:v55+s2+$0x0], $0xffff  }
0xa0: {  	v0 =	vadd.s32 $0x1E, v9;
	v44 =	vld.idx.msk [tilespmem:v57+s2+$0x0], $0xffff  }
0xa1: {  	v1 =	vadd.s32 $0x19, v9;
	v45 =	vld.idx.msk [tilespmem:v58+s2+$0x0], $0xffff  }
0xa2: {  	v2 =	vadd.s32 $0x1A, v9;
	v40 =	vld.idx.msk [tilespmem:v56+s2+$0x0], $0xffff  }
0xa3: {  	v3 =	vadd.s32 $0x15, v9;
	v48 =	vld.idx.msk [tilespmem:v60+s2+$0x0], $0xffff  }
0xa4: {  	v61 =	vadd.s32 $0x16, v9;
	v56 =	vld.idx.msk [tilespmem:v42+s2+$0x0], $0xffff  }
0xa5: {  	v42 =	vld.idx.msk [tilespmem:v0+s2+$0x0], $0xffff  }
0xa6: {  	v45 =	vmax.f32 v45, v44;
	v44 =	vld.idx.msk [tilespmem:v1+s2+$0x0], $0xffff  }
0xa7: {  	v59 =	vadd.s32 $0x11, v9;
	v47 =	vmax.f32 v45, v47;
	v45 =	vld.idx.msk [tilespmem:v2+s2+$0x0], $0xffff  }
0xa8: {  	[tilespmem:$0x1FFE0] =	vst v54;
	v54 =	vadd.s32 $0x12, v9;
	v57 =	vadd.s32 $0xD, v9;
	v47 =	vmax.f32 v47, v48;
	v48 =	vld.idx.msk [tilespmem:v3+s2+$0x0], $0xffff  }
0xa9: {  	s15 =	simm.s32 $0x20;
	s14 =	simm.s32 $0xCD80;
	s13 =	simm.s32 $0xD000;
	v55 =	vadd.s32 $0xE, v9;
	v58 =	vadd.s32 $0x5, v9;
	v60 =	vmax.f32 v47, v49;
	v49 =	vld.idx.msk [tilespmem:v61+s2+$0x0], $0xffff  }
.LBB2_2:
0xaa: {  	_ =	sdelay $0x2  }
0xab: {  	v61 =	vadd.s32 $0x9, v9  }
0xac: {  	v59 =	vld.idx.msk [tilespmem:v59+s2+$0x0], $0xffff;
	v2 =	vadd.s32 $0x6, v9  }
0xad: {  	v47 =	vor.u32 s15, v63;
	v54 =	vld.idx.msk [tilespmem:v54+s2+$0x0], $0xffff  }
0xae: {  	v57 =	vld.idx.msk [tilespmem:v57+s2+$0x0], $0xffff;
	v63 =	vadd.s32 $0xF, v9;
	v1 =	vadd.s32 $0x13, v9;
	v0 =	vadd.s32 $0x17, v9  }
0xaf: {  	v55 =	vld.idx.msk [tilespmem:v55+s2+$0x0], $0xffff;
	v4 =	vadd.s32 $0x23, v9;
	v5 =	vadd.s32 $0x3F, v9;
	v56 =	vmax.f32 v60, v56  }
0xb0: {  	v6 =	vadd.s32 $0x3B, v9;
	vm0 =	vlt.s32 v47, $0x270;
	v53 =	vmax.f32 v56, v53;
	v61 =	vld.idx.msk [tilespmem:v61+s2+$0x0], $0xffff  }
0xb1: {  	v3 =	vnsel vm0, $0x270, v47;
	v56 =	vadd.s32 $0x7, v9;
	v60 =	vld.idx.msk [tilespmem:v2+s2+$0x0], $0xffff;
	v53 =	vmax.f32 v53, v50  }
0xb2: {  	v16 =	vmovc v7;
	v7 =	vmovc v62;
	v62 =	vadd.s32 $0xA, v9;
	v52 =	vmax.f32 v53, v52;
	v53 =	vld.idx.msk [tilespmem:v58+s2+$0x0], $0xffff;
	v58 =	vadd.s32 $0xB, v9  }
0xb3: {  	v24 =	vadd.f32 v24, v26;
	v26 =	vadd.s32 $0x2F, v9;
	v63 =	vld.idx.msk [tilespmem:v63+s2+$0x0], $0xffff;
	v51 =	vmax.f32 v52, v51  }
0xb4: {  	v2 =	vadd.s32 $0x1B, v9;
	v1 =	vld.idx.msk [tilespmem:v1+s2+$0x0], $0xffff;
	v50 =	vmul.u32 $0x54, v3;
	v46 =	vmax.f32 v51, v46  }
0xb5: {  	v0 =	vld.idx.msk [tilespmem:v0+s2+$0x0], $0xffff;
	v3 =	vadd.s32 $0x1F, v9;
	v18 =	vadd.f32 v18, v24;
	v43 =	vmax.f32 v46, v43  }
0xb6: {  	v52 =	vor.u32 $0x3, v9;
	v51 =	vadd.s32 $0x53, v9;
	v56 =	vld.idx.msk [tilespmem:v56+s2+$0x0], $0xffff;
	v41 =	vmax.f32 v43, v41  }
0xb7: {  	v46 =	vadd.s32 $0x4F, v9;
	v43 =	vadd.s32 $0x4B, v9;
	v39 =	vmax.f32 v41, v39;
	v58 =	vld.idx.msk [tilespmem:v58+s2+$0x0], $0xffff  }
0xb8: {  	v4 =	vld.idx.msk [tilespmem:v4+s2+$0x0], $0xffff;
	v41 =	vadd.s32 $0x47, v9;
	v24 =	vmax.f32 v53, v61;
	v36 =	vmax.f32 v39, v36  }
0xb9: {  	v5 =	vld.idx.msk [tilespmem:v5+s2+$0x0], $0xffff;
	v39 =	vadd.s32 $0x43, v9;
	v24 =	vmax.f32 v24, v57;
	v33 =	vmax.f32 v36, v33  }
0xba: {  	v62 =	vld.idx.msk [tilespmem:v62+s2+$0x0], $0xffff;
	v36 =	vadd.s32 $0x27, v9;
	v31 =	vmax.f32 v33, v31;
	v33 =	vadd.s32 $0x2B, v9  }
0xbb: {  	v2 =	vld.idx.msk [tilespmem:v2+s2+$0x0], $0xffff;
	v29 =	vmax.f32 v31, v29;
	v31 =	vadd.s32 $0x37, v9;
	v9 =	vadd.s32 $0x33, v9  }
0xbc: {  	v3 =	vld.idx.msk [tilespmem:v3+s2+$0x0], $0xffff;
	v24 =	vmax.f32 v24, v59;
	v25 =	vmax.f32 v29, v25;
	v29 =	vmax.f32 v56, v58  }
0xbd: {  	v24 =	vmax.f32 v24, v48;
	v58 =	vld.idx.msk [tilespmem:v26+s2+$0x0], $0xffff;
	v29 =	vmax.f32 v29, v63  }
0xbe: {  	v24 =	vmax.f32 v24, v44;
	v61 =	vld.idx.msk [tilespmem:v41+s2+$0x0], $0xffff;
	v1 =	vmax.f32 v29, v1  }
0xbf: {  	v20 =	vmax.f32 v25, v20;
	v25 =	vmax.f32 v60, v62;
	v62 =	vmovc v7;
	v7 =	vld [tilespmem:$0x1FFE0];
	v0 =	vmax.f32 v1, v0  }
0xc0: {  	v0 =	vmax.f32 v0, v2;
	v59 =	vld.idx.msk [tilespmem:v9+s2+$0x0], $0xffff;
	v9 =	vmax.f32 v24, v40  }
0xc1: {  	v25 =	vmax.f32 v25, v55;
	v36 =	vld.idx.msk [tilespmem:v36+s2+$0x0], $0xffff;
	v0 =	vmax.f32 v0, v3;
	v9 =	vmax.f32 v9, v37  }
0xc2: {  	v25 =	vmax.f32 v25, v54;
	v0 =	vmax.f32 v0, v4;
	v4 =	vld.idx.msk [tilespmem:v6+s2+$0x0], $0xffff;
	v6 =	vmax.f32 v9, v34  }
0xc3: {  	v29 =	vld.idx.msk [tilespmem:v33+s2+$0x0], $0xffff;
	v25 =	vmax.f32 v25, v49;
	v6 =	vmax.f32 v6, v30  }
0xc4: {  	v33 =	vld.idx.msk [tilespmem:v46+s2+$0x0], $0xffff;
	v25 =	vmax.f32 v25, v45;
	v6 =	vmax.f32 v6, v27  }
0xc5: {  	v60 =	vld.idx.msk [tilespmem:v31+s2+$0x0], $0xffff;
	v24 =	vmax.f32 v25, v42;
	v6 =	vmax.f32 v6, v22  }
0xc6: {  	v37 =	vld [tilespmem:$0x1FFC0];
	v24 =	vmax.f32 v24, v38;
	v6 =	vmax.f32 v6, v19  }
0xc7: {  	v0 =	vmax.f32 v0, v36;
	v38 =	vld [tilespmem:$0x1FFA0];
	v9 =	vmax.f32 v24, v35;
	v6 =	vmax.f32 v6, v12  }
0xc8: {  	v0 =	vmax.f32 v0, v29;
	v9 =	vmax.f32 v9, v32;
	v6 =	vmax.f32 v6, v7;
	v7 =	vld [tilespmem:$0x1FFF0]  }
0xc9: {  	v24 =	vld.idx.msk [tilespmem:v39+s2+$0x0], $0xffff;
	v0 =	vmax.f32 v0, v58;
	v9 =	vmax.f32 v9, v28  }
0xca: {  	v35 =	vld [tilespmem:$0x1FFD0];
	v0 =	vmax.f32 v0, v59;
	v9 =	vmax.f32 v9, v23  }
0xcb: {  	v32 =	vld.idx.msk [tilespmem:v43+s2+$0x0], $0xffff;
	v0 =	vmax.f32 v0, v60;
	v9 =	vmax.f32 v9, v21  }
0xcc: {  	v36 =	vld [tilespmem:$0x1FFB0];
	v0 =	vmax.f32 v0, v4;
	vm15 =	vlt.u32 v38, $0x271;
	v9 =	vmax.f32 v9, v17  }
0xcd: {  	v4 =	vld.idx.msk [tilespmem:v51+s2+$0x0], $0xffff;
	v0 =	vmax.f32 v0, v5;
	v5 =	vmax.f32 v6, v14;
	v9 =	vmax.f32 v9, v7  }
0xce: {  	v0 =	vmax.f32 v0, v24;
	v5 =	vmax.f32 v5, v11;
	v6 =	vmax.f32 v9, v15  }
0xcf: {  	v12 =	vld.idx.msk [tilespmem:v52+s2+$0x0], $0xffff;
	v0 =	vmax.f32 v0, v61;
	v34 =	vmax.f32 v5, v8;
	v6 =	vmax.f32 v6, v13  }
0xd0: {  	v0 =	vmax.f32 v0, v32;
	v1 =	vmax.f32 v34, v35;
	v5 =	vmax.f32 v6, v10  }
0xd1: {  	v0 =	vmax.f32 v0, v33;
	v1 =	vmax.f32 v1, v36;
	v6 =	vmax.f32 v5, v16  }
0xd2: {  	v0 =	vmax.f32 v0, v4;
	v9 =	vadd.s32 v62, v50;
	v5 =	vmax.f32 v6, v37  }
0xd3: {  	v1 =	vmax.f32 v20, v1;
	v41 =	vor.u32 $0x2, v9;
	v0 =	vmax.f32 v5, v0  }
0xd4: {  	v40 =	vadd.f32 v12, v18;
	v42 =	vadd.s32 $0x50, v9;
	v0 =	vmax.f32 v1, v0  }
0xd5: {  	s14 =	sadd.s32 $0x10, s14;
	v44 =	vadd.s32 $0x51, v9;
	v0 =	vnsel vm15, $0xFF800000, v0  }
0xd6: {  	s13 =	sadd.s32 $0x10, s13;
	v43 =	vnsel vm15, $0x0, v40;
	v45 =	vadd.s32 $0x52, v9;
	[tilespmem:s14+$0x0] =	vst v0  }
0xd7: {  	v4 =	vor.u32 $0x1, v9;
	[tilespmem:s13+$0x0] =	vst v43  }
0xd8: {  	v18 =	vld.idx.msk [tilespmem:v41+s2+$0x0], $0xffff  }
0xd9: {  	v46 =	vadd.s32 $0x4C, v9;
	v20 =	vld.idx.msk [tilespmem:v42+s2+$0x0], $0xffff  }
0xda: {  	v39 =	vmov v47;
	v47 =	vadd.s32 $0x4D, v9;
	v1 =	vld.idx.msk [tilespmem:v44+s2+$0x0], $0xffff  }
0xdb: {  	v48 =	vadd.s32 $0x4E, v9;
	v0 =	vld.idx.msk [tilespmem:v45+s2+$0x0], $0xffff  }
0xdc: {  	v49 =	vadd.s32 $0x48, v9;
	v24 =	vld.idx.msk [tilespmem:v4+s2+$0x0], $0xffff  }
0xdd: {  	v5 =	vadd.s32 $0x4A, v9;
	v26 =	vld.idx.msk [tilespmem:v9+s2+$0x0], $0xffff  }
0xde: {  	v50 =	vadd.s32 $0x44, v9;
	v25 =	vld.idx.msk [tilespmem:v46+s2+$0x0], $0xffff  }
0xdf: {  	v51 =	vadd.s32 $0x45, v9;
	v3 =	vld.idx.msk [tilespmem:v47+s2+$0x0], $0xffff  }
0xe0: {  	v52 =	vadd.s32 $0x46, v9;
	v7 =	vld.idx.msk [tilespmem:v48+s2+$0x0], $0xffff  }
0xe1: {  	v53 =	vadd.s32 $0x40, v9;
	v29 =	vld.idx.msk [tilespmem:v49+s2+$0x0], $0xffff  }
0xe2: {  	v54 =	vadd.s32 $0x3C, v9;
	v10 =	vld.idx.msk [tilespmem:v5+s2+$0x0], $0xffff  }
0xe3: {  	v57 =	vadd.s32 $0x38, v9;
	v31 =	vld.idx.msk [tilespmem:v50+s2+$0x0], $0xffff  }
0xe4: {  	v4 =	vadd.s32 $0x49, v9;
	v11 =	vld.idx.msk [tilespmem:v51+s2+$0x0], $0xffff  }
0xe5: {  	v58 =	vadd.s32 $0x34, v9;
	v13 =	vld.idx.msk [tilespmem:v52+s2+$0x0], $0xffff  }
0xe6: {  	v59 =	vadd.s32 $0x35, v9;
	v33 =	vld.idx.msk [tilespmem:v53+s2+$0x0], $0xffff  }
0xe7: {  	v60 =	vadd.s32 $0x36, v9;
	v36 =	vld.idx.msk [tilespmem:v54+s2+$0x0], $0xffff  }
0xe8: {  	[tilespmem:$0x1FFA0] =	vst v39;
	v61 =	vadd.s32 $0x30, v9;
	v39 =	vld.idx.msk [tilespmem:v57+s2+$0x0], $0xffff  }
0xe9: {  	v8 =	vld.idx.msk [tilespmem:v4+s2+$0x0], $0xffff;
	v4 =	vadd.s32 $0x41, v9  }
0xea: {  	v5 =	vadd.s32 $0x42, v9;
	v41 =	vld.idx.msk [tilespmem:v58+s2+$0x0], $0xffff  }
0xeb: {  	v32 =	vadd.s32 $0x2C, v9;
	v19 =	vld.idx.msk [tilespmem:v59+s2+$0x0], $0xffff  }
0xec: {  	v34 =	vadd.s32 $0x2D, v9;
	v21 =	vld.idx.msk [tilespmem:v60+s2+$0x0], $0xffff  }
0xed: {  	v35 =	vadd.s32 $0x2E, v9;
	v43 =	vld.idx.msk [tilespmem:v61+s2+$0x0], $0xffff  }
0xee: {  	v14 =	vld.idx.msk [tilespmem:v4+s2+$0x0], $0xffff;
	v4 =	vadd.s32 $0x39, v9  }
0xef: {  	v15 =	vld.idx.msk [tilespmem:v5+s2+$0x0], $0xffff;
	v5 =	vadd.s32 $0x3A, v9  }
0xf0: {  	v37 =	vadd.s32 $0x28, v9;
	v46 =	vld.idx.msk [tilespmem:v32+s2+$0x0], $0xffff  }
0xf1: {  	v38 =	vadd.s32 $0x24, v9;
	v27 =	vld.idx.msk [tilespmem:v34+s2+$0x0], $0xffff  }
0xf2: {  	v40 =	vadd.s32 $0x25, v9;
	v28 =	vld.idx.msk [tilespmem:v35+s2+$0x0], $0xffff  }
0xf3: {  	v12 =	vld.idx.msk [tilespmem:v4+s2+$0x0], $0xffff;
	v4 =	vadd.s32 $0x31, v9  }
0xf4: {  	v17 =	vld.idx.msk [tilespmem:v5+s2+$0x0], $0xffff;
	v5 =	vadd.s32 $0x32, v9  }
0xf5: {  	v55 =	vadd.s32 $0x3D, v9;
	v51 =	vld.idx.msk [tilespmem:v37+s2+$0x0], $0xffff  }
0xf6: {  	v56 =	vadd.s32 $0x3E, v9;
	v52 =	vld.idx.msk [tilespmem:v38+s2+$0x0], $0xffff  }
0xf7: {  	v42 =	vadd.s32 $0x26, v9;
	v34 =	vld.idx.msk [tilespmem:v40+s2+$0x0], $0xffff  }
0xf8: {  	v22 =	vld.idx.msk [tilespmem:v4+s2+$0x0], $0xffff;
	v4 =	vadd.s32 $0x29, v9  }
0xf9: {  	v23 =	vld.idx.msk [tilespmem:v5+s2+$0x0], $0xffff;
	v5 =	vadd.s32 $0x2A, v9  }
0xfa: {  	v44 =	vadd.s32 $0x20, v9;
	[tilespmem:$0x1FFD0] =	vst v3;
	v3 =	vld.idx.msk [tilespmem:v55+s2+$0x0], $0xffff  }
0xfb: {  	v45 =	vadd.s32 $0x1C, v9;
	[tilespmem:$0x1FFB0] =	vst v1;
	v1 =	vld.idx.msk [tilespmem:v56+s2+$0x0], $0xffff  }
0xfc: {  	v47 =	vadd.s32 $0x1D, v9;
	v35 =	vld.idx.msk [tilespmem:v42+s2+$0x0], $0xffff  }
0xfd: {  	v30 =	vld.idx.msk [tilespmem:v4+s2+$0x0], $0xffff;
	v4 =	vadd.s32 $0x21, v9  }
0xfe: {  	v32 =	vld.idx.msk [tilespmem:v5+s2+$0x0], $0xffff;
	v5 =	vadd.s32 $0x22, v9  }
0xff: {  	v57 =	vadd.s32 $0x4, v9;
	v50 =	vld.idx.msk [tilespmem:v44+s2+$0x0], $0xffff  }
0x100: {  	v58 =	vadd.s32 $0x14, v9;
	v53 =	vld.idx.msk [tilespmem:v45+s2+$0x0], $0xffff  }
0x101: {  	v56 =	vadd.s32 $0x8, v9;
	v40 =	vld.idx.msk [tilespmem:v47+s2+$0x0], $0xffff  }
0x102: {  	v37 =	vld.idx.msk [tilespmem:v4+s2+$0x0], $0xffff;
	v4 =	vadd.s32 $0xC, v9  }
0x103: {  	v38 =	vld.idx.msk [tilespmem:v5+s2+$0x0], $0xffff;
	v5 =	vadd.s32 $0x10, v9  }
0x104: {  	v6 =	vadd.s32 $0x1E, v9;
	[tilespmem:$0x1FFC0] =	vst v0;
	v0 =	vld.idx.msk [tilespmem:v57+s2+$0x0], $0xffff  }
0x105: {  	v60 =	vadd.s32 $0x1A, v9;
	v2 =	vld.idx.msk [tilespmem:v58+s2+$0x0], $0xffff  }
0x106: {  	v61 =	vadd.s32 $0x15, v9;
	[tilespmem:$0x1FFF0] =	vst v1;
	v1 =	vld.idx.msk [tilespmem:v56+s2+$0x0], $0xffff  }
0x107: {  	v49 =	vadd.s32 $0x16, v9;
	v4 =	vld.idx.msk [tilespmem:v4+s2+$0x0], $0xffff  }
0x108: {  	v59 =	vadd.s32 $0x18, v9;
	v5 =	vld.idx.msk [tilespmem:v5+s2+$0x0], $0xffff  }
0x109: {  	p0 =	sne.s32 s15, $0x270;
	v44 =	vadd.s32 $0x19, v9;
	v42 =	vld.idx.msk [tilespmem:v6+s2+$0x0], $0xffff  }
.Ltmp0:
0x10a: {  	v45 =	vld.idx.msk [tilespmem:v60+s2+$0x0], $0xffff;
	(pc) =	sbr.rel @p0 .LBB2_2-.Ltmp0, $4  }
0x10b: {  	v48 =	vld.idx.msk [tilespmem:v61+s2+$0x0], $0xffff;
	v0 =	vmax.f32 v0, v1  }
0x10c: {  	v63 =	vlaneseq.u32;
	v54 =	vadd.s32 $0x12, v9;
	v49 =	vld.idx.msk [tilespmem:v49+s2+$0x0], $0xffff;
	v0 =	vmax.f32 v0, v4  }
0x10d: {  	v57 =	vadd.s32 $0xD, v9;
	v55 =	vadd.s32 $0xE, v9;
	v56 =	vld.idx.msk [tilespmem:v59+s2+$0x0], $0xffff;
	v0 =	vmax.f32 v0, v5  }
0x10e: {  	s15 =	sadd.s32 $0x10, s15;
	v58 =	vadd.s32 $0x5, v9;
	[tilespmem:$0x1FFE0] =	vst v3;
	v59 =	vadd.s32 $0x11, v9;
	v44 =	vld.idx.msk [tilespmem:v44+s2+$0x0], $0xffff;
	v60 =	vmax.f32 v0, v2  }
0x10f: {  	_ =	sdelay $0x2  }
0x110: {  	v1 =	vadd.s32 $0x9, v9  }
0x111: {  	v2 =	vld.idx.msk [tilespmem:v59+s2+$0x0], $0xffff;
	v3 =	vadd.s32 $0x6, v9  }
0x112: {  	v4 =	vadd.s32 $0xA, v9;
	v5 =	vld.idx.msk [tilespmem:v57+s2+$0x0], $0xffff  }
0x113: {  	v6 =	vadd.s32 $0x7, v9;
	v47 =	vld.idx.msk [tilespmem:v58+s2+$0x0], $0xffff;
	v0 =	vmax.f32 v60, v56  }
0x114: {  	v58 =	vadd.s32 $0xB, v9;
	v0 =	vmax.f32 v0, v53;
	v53 =	vld.idx.msk [tilespmem:v54+s2+$0x0], $0xffff  }
0x115: {  	v59 =	vadd.s32 $0xF, v9;
	v1 =	vld.idx.msk [tilespmem:v1+s2+$0x0], $0xffff  }
0x116: {  	v3 =	vld.idx.msk [tilespmem:v3+s2+$0x0], $0xffff  }
0x117: {  	v60 =	vadd.s32 $0x13, v9;
	v4 =	vld.idx.msk [tilespmem:v4+s2+$0x0], $0xffff  }
0x118: {  	v56 =	vadd.s32 $0x23, v9;
	v0 =	vmax.f32 v0, v50;
	v6 =	vld.idx.msk [tilespmem:v6+s2+$0x0], $0xffff  }
0x119: {  	v50 =	vld.idx.msk [tilespmem:v58+s2+$0x0], $0xffff;
	v0 =	vmax.f32 v0, v52  }
0x11a: {  	v24 =	vadd.f32 v24, v26;
	v58 =	vadd.s32 $0x27, v9;
	v52 =	vld.idx.msk [tilespmem:v59+s2+$0x0], $0xffff;
	v0 =	vmax.f32 v0, v51  }
0x11b: {  	v61 =	vadd.s32 $0x17, v9;
	v0 =	vmax.f32 v0, v46;
	v46 =	vld.idx.msk [tilespmem:v55+s2+$0x0], $0xffff  }
0x11c: {  	v16 =	vadd.s32 $0x2F, v9;
	v18 =	vadd.f32 v18, v24;
	v51 =	vadd.s32 $0x1B, v9;
	v55 =	vld.idx.msk [tilespmem:v60+s2+$0x0], $0xffff  }
0x11d: {  	v54 =	vadd.s32 $0x1F, v9;
	v24 =	vld.idx.msk [tilespmem:v56+s2+$0x0], $0xffff;
	v0 =	vmax.f32 v0, v43;
	v43 =	vadd.s32 $0x3F, v9  }
0x11e: {  	v56 =	vld [tilespmem:$0x1FFB0];
	v0 =	vmax.f32 v0, v41;
	v1 =	vmax.f32 v47, v1;
	v3 =	vmax.f32 v3, v4  }
0x11f: {  	v57 =	vmax.f32 v6, v50;
	v6 =	vld.idx.msk [tilespmem:v58+s2+$0x0], $0xffff;
	v41 =	vadd.s32 $0x3B, v9;
	v0 =	vmax.f32 v0, v39  }
0x120: {  	v47 =	vadd.s32 $0x4F, v9;
	v4 =	vmax.f32 v57, v52;
	v57 =	vld [tilespmem:$0x1FFC0];
	v0 =	vmax.f32 v0, v36  }
0x121: {  	v50 =	vor.u32 $0x3, v9;
	v1 =	vmax.f32 v1, v5;
	v59 =	vld.idx.msk [tilespmem:v51+s2+$0x0], $0xffff;
	v0 =	vmax.f32 v0, v33  }
0x122: {  	v39 =	vadd.s32 $0x37, v9;
	v33 =	vld.idx.msk [tilespmem:v61+s2+$0x0], $0xffff;
	v61 =	vadd.s32 $0x2B, v9;
	v0 =	vmax.f32 v0, v31  }
0x123: {  	v1 =	vmax.f32 v1, v2;
	v4 =	vmax.f32 v4, v55;
	v55 =	vld [tilespmem:$0x1FFD0];
	v0 =	vmax.f32 v0, v29  }
0x124: {  	v36 =	vadd.s32 $0x33, v9;
	v3 =	vmax.f32 v3, v46;
	v0 =	vmax.f32 v0, v25;
	v25 =	vld.idx.msk [tilespmem:v54+s2+$0x0], $0xffff  }
0x125: {  	v1 =	vmax.f32 v1, v48;
	v46 =	vadd.s32 $0x4B, v9;
	v60 =	vmax.f32 v3, v53;
	v53 =	vld [tilespmem:$0x1FFE0]  }
0x126: {  	v48 =	vadd.s32 $0x53, v9;
	v1 =	vmax.f32 v1, v44;
	v44 =	vadd.s32 $0x43, v9;
	v5 =	vld.idx.msk [tilespmem:v41+s2+$0x0], $0xffff  }
0x127: {  	v2 =	vmax.f32 v60, v49;
	v1 =	vmax.f32 v1, v40;
	v4 =	vmax.f32 v4, v33;
	v3 =	vld.idx.msk [tilespmem:v61+s2+$0x0], $0xffff  }
0x128: {  	v2 =	vmax.f32 v2, v45;
	v0 =	vmax.f32 v0, v20;
	v20 =	vld.idx.msk [tilespmem:v16+s2+$0x0], $0xffff;
	v4 =	vmax.f32 v4, v59  }
0x129: {  	v45 =	vadd.s32 $0x47, v9;
	v2 =	vmax.f32 v2, v42;
	v26 =	vld.idx.msk [tilespmem:v36+s2+$0x0], $0xffff;
	v4 =	vmax.f32 v4, v25  }
0x12a: {  	v1 =	vmax.f32 v1, v37;
	v29 =	vld.idx.msk [tilespmem:v39+s2+$0x0], $0xffff;
	v2 =	vmax.f32 v2, v38;
	v4 =	vmax.f32 v4, v24  }
0x12b: {  	v54 =	vld [tilespmem:$0x1FFF0];
	v1 =	vmax.f32 v1, v34;
	v2 =	vmax.f32 v2, v35;
	v4 =	vmax.f32 v4, v6  }
0x12c: {  	v1 =	vmax.f32 v1, v30;
	v2 =	vmax.f32 v2, v32;
	v25 =	vld.idx.msk [tilespmem:v43+s2+$0x0], $0xffff;
	v3 =	vmax.f32 v4, v3  }
0x12d: {  	v1 =	vmax.f32 v1, v27;
	v49 =	vld.idx.msk [tilespmem:v44+s2+$0x0], $0xffff;
	v2 =	vmax.f32 v2, v28;
	v3 =	vmax.f32 v3, v20  }
0x12e: {  	v1 =	vmax.f32 v1, v22;
	v51 =	vld.idx.msk [tilespmem:v45+s2+$0x0], $0xffff;
	v2 =	vmax.f32 v2, v23;
	v3 =	vmax.f32 v3, v26  }
0x12f: {  	v1 =	vmax.f32 v1, v19;
	v2 =	vmax.f32 v2, v21;
	v6 =	vld.idx.msk [tilespmem:v46+s2+$0x0], $0xffff;
	v3 =	vmax.f32 v3, v29  }
0x130: {  	v52 =	vld.idx.msk [tilespmem:v47+s2+$0x0], $0xffff;
	v1 =	vmax.f32 v1, v12;
	v2 =	vmax.f32 v2, v17;
	v3 =	vmax.f32 v3, v5  }
0x131: {  	v1 =	vmax.f32 v1, v53;
	v4 =	vld.idx.msk [tilespmem:v48+s2+$0x0], $0xffff;
	v2 =	vmax.f32 v2, v54;
	v3 =	vmax.f32 v3, v25  }
0x132: {  	v9 =	vld.idx.msk [tilespmem:v50+s2+$0x0], $0xffff;
	v1 =	vmax.f32 v1, v14;
	v2 =	vmax.f32 v2, v15;
	v3 =	vmax.f32 v3, v49  }
0x133: {  	v59 =	vld [tilespmem:$0x1FFA0];
	v1 =	vmax.f32 v1, v11;
	v2 =	vmax.f32 v2, v13;
	v3 =	vmax.f32 v3, v51  }
0x134: {  	v1 =	vmax.f32 v1, v8;
	v2 =	vmax.f32 v2, v10;
	v3 =	vmax.f32 v3, v6  }
0x135: {  	v1 =	vmax.f32 v1, v55;
	v2 =	vmax.f32 v2, v7;
	v3 =	vmax.f32 v3, v52  }
0x136: {  	v1 =	vmax.f32 v1, v56;
	v2 =	vmax.f32 v2, v57;
	v3 =	vmax.f32 v3, v4  }
0x137: {  	v0 =	vmax.f32 v0, v1;
	v58 =	vmax.f32 v2, v3  }
0x138: {  	v60 =	vadd.f32 v9, v18;
	vm0 =	vlt.u32 v59, $0x271;
	v0 =	vmax.f32 v0, v58  }
0x139: {  	s14 =	sadd.s32 $0x10, s14;
	v0 =	vnsel vm0, $0xFF800000, v0  }
0x13a: {  	s13 =	sadd.s32 $0x10, s13;
	v61 =	vnsel vm0, $0x0, v60;
	[tilespmem:s14+$0x0] =	vst v0  }
0x13b: {  	[tilespmem:s13+$0x0] =	vst v61  }
0x13c: {  	[hbm4b:s4+s8] =	stream.strided.scatter [tilespmem:s10], [sflag:$0x1], $0x280, s9, s8, $0x38;
	[tilespmem:$0xD280] =	vst v63  }
0x13d: {  	s12 =	sadd.s32 $0x1, s12;
	_ =	swait.ge [sflag:s7], $0x280  }
0x13e: {  	p0 =	sne.s32 s12, s6;
	[sflag:s7] =	ssyncset.done $0x0  }
.Ltmp1:
0x13f: {  	[sflag:s7] =	ssyncadd.s32 $0xFFFFFD80;
	(pc) =	sbr.rel @p0 .LBB2_1-.Ltmp1, $4  }
0x140: {  	[hbm4b:s5+s8] =	stream.strided.scatter [tilespmem:s11], [sflag:$0x1], $0x280, s9, s8, $0x38;
	[tilespmem:$0xD280] =	vst v63  }
0x141: {  	_ =	swait.ge [sflag:s7], $0x280  }
0x142: {  	[sflag:s7] =	ssyncset.done $0x0  }
0x143: {  	[sflag:s7] =	ssyncadd.s32 $0xFFFFFD80  }
0x144: {  	_ =	sfence.sel $0x180000  }
0x145: {  	[bflag:$0x0] =	sbarrier.arrive $0xFFFF  }
0x146: {  	p0 =	sne.s32 s0, $0x0;
	_ =	strace $0x90000047  }
0x147: {  	s0 =	sadd.s32 @!p0 $0x100000, s1;
	[bflag:$0x2] =	sbarrier.arrive $0xFFFF  }
0x148: {  	[sflag:s0] =	ssyncadd.tile.s32 @!p0 $0x1;
	_ =	shalt  }
.Lfunc_end2:
_tile_overlayer_lowered:
.L_overlay_start_2:
0x149: {  	(tag) =	ssettag $0x2  }
0x14a: {  	s0 =	rddreg [dreg:$0x0];
	s2 =	stileid.u32  }
0x14b: {  	s1 =	rddreg [dreg:$0x1];
	p0 =	sne.s32 s2, $0x0  }
0x14c: {  	s3 =	rddreg [dreg:$0x2];
	[bflag:$0x3] =	sbarrier.arrive $0xFFFF;
	s2 =	simm.s32 @!p0 $0x1C01  }
0x14d: {  	[timem:s3], [sflag:s2] =	dma.local @!p0 [hbm:s0], s1  }
0x14e: {  	s0 =	simm.s32 @!p0 $0x1  }
0x14f: {  	_ =	swait.ge @!p0 [sflag:s0], s1  }
0x150: {  	s1 =	ssub.s32 @!p0 $0x0, s1;
	[sflag:s0] =	ssyncset.done @!p0 $0x0  }
0x151: {  	[sflag:s0] =	ssyncadd.s32 @!p0 s1  }
0x152: {  	[bflag:$0x3] =	sbarrier.arrive $0xFFFF  }
0x153: {  	_ =	shalt  }

</sc_bundles>
